<compile_context>
chip_gen: v7x
topology: tpu7x:2x2x1
jax: 0.10.2.dev20260603
libtpu: 0.0.44.dev20260713+nightly
codegen_flags: <defaults>
</compile_context>

<pallas_src>
import functools

import jax
import jax.numpy as jnp
from jax import lax
from jax.experimental import pallas as pl
from jax.experimental.pallas import tpu as pltpu
from jax.experimental.pallas import tpu_sc as plsc

N_AT = 320000
R = 10000
H = 128
NW = 32
CHUNK = 128
NCHUNKS = N_AT // CHUNK
ITERS = 80
ACC_ROWS = 10112
ROWS_PER_TILE = ACC_ROWS // 16
TRASH = R
NSTAT = 11
LWORDS = ACC_ROWS * NSTAT
LROWS = 896
LPAD = LROWS * 128


def _prep_body(seg_ref, type_ref, px_ref, py_ref, pz_ref, adj_ref, *st_refs):
    seg = seg_ref[...]
    t = type_ref[...]
    px = px_ref[...]
    py = py_ref[...]
    pz = pz_ref[...]
    one = jnp.ones_like(px)
    zero = jnp.zeros_like(px)
    isN = jnp.where(t == 0, one, zero)
    isCA = jnp.where(t == 1, one, zero)
    isC = jnp.where(t == 2, one, zero)
    isCB = jnp.where(t == 4, one, zero)
    del zero
    lane = lax.broadcasted_iota(jnp.int32, t.shape, 1)
    adj_ref[...] = jnp.where(t == 1, seg, TRASH + lane % (ACC_ROWS - TRASH))
    vals = (one, isN, isCA, isC, isCB,
            isCA * px, isCA * py, isCA * pz,
            isCB * px, isCB * py, isCB * pz)
    for ref, v in zip(st_refs, vals):
        ref[...] = v


def _make_sc_scatter(width):

    def body(rows_hbm, key3_hbm, zero_hbm, out_hbm,
             tile0, tile1, idx0, idx1, acc, st0, si0, st1, si1):
        c = lax.axis_index("c")
        s = lax.axis_index("s")
        w = c * 16 + s
        rows0 = s * ROWS_PER_TILE

        pltpu.sync_copy(zero_hbm.at[pl.ds(rows0, ROWS_PER_TILE)],
                        acc.at[pl.ds(rows0, ROWS_PER_TILE)])
        plsc.subcore_barrier()

        bufs = ((tile0, idx0, st0, si0), (tile1, idx1, st1, si1))

        def start(chunk, tile, idx, st, si):
            pltpu.async_copy(rows_hbm.at[pl.ds(chunk * CHUNK, CHUNK)],
                             tile, st)
            pltpu.async_copy(key3_hbm.at[chunk], idx, si)

        def wait(chunk, tile, idx, st, si):
            pltpu.make_async_copy(rows_hbm.at[pl.ds(chunk * CHUNK, CHUNK)],
                                  tile, st).wait()
            pltpu.make_async_copy(key3_hbm.at[chunk], idx, si).wait()

        def step(chunk, mine, other):
            @pl.when(chunk < NCHUNKS)
            def _():
                wait(chunk, *mine)

                @pl.when(chunk + NW < NCHUNKS)
                def _():
                    start(chunk + NW, *other)

                pltpu.sync_copy(mine[0], acc.at[mine[1].at[0]], add=True)

        @pl.when(w < NCHUNKS)
        def _():
            start(w, *bufs[0])

        def pair_body(j, carry):
            c0 = w + (2 * j) * NW
            step(c0, bufs[0], bufs[1])
            step(c0 + NW, bufs[1], bufs[0])
            return carry

        lax.fori_loop(0, ITERS // 2, pair_body, 0)
        plsc.subcore_barrier()

        out0 = c * ACC_ROWS + rows0
        pltpu.sync_copy(acc.at[pl.ds(rows0, ROWS_PER_TILE)],
                        out_hbm.at[pl.ds(out0, ROWS_PER_TILE)])

    mesh = plsc.VectorSubcoreMesh(core_axis_name="c", subcore_axis_name="s")
    return functools.partial(
        pl.kernel,
        out_type=[jax.ShapeDtypeStruct((2 * ACC_ROWS, width), jnp.float32)],
        mesh=mesh,
        scratch_types=[
            pltpu.VMEM((CHUNK, width), jnp.float32),
            pltpu.VMEM((CHUNK, width), jnp.float32),
            pltpu.VMEM((8, 128), jnp.int32),
            pltpu.VMEM((8, 128), jnp.int32),
            pltpu.VMEM_SHARED((ACC_ROWS, width), jnp.float32),
            pltpu.SemaphoreType.DMA,
            pltpu.SemaphoreType.DMA,
            pltpu.SemaphoreType.DMA,
            pltpu.SemaphoreType.DMA,
        ],
    )(body)


def _finish_body(f0_ref, f1_ref, s0_ref, s1_ref, feat_ref, misc_ref):
    st = s0_ref[...] + s1_ref[...]
    cnt = st[:, 0:1]
    cN = st[:, 1:2]
    cCA = st[:, 2:3]
    cC = st[:, 3:4]
    cCB = st[:, 4:5]
    dCA = jnp.maximum(cCA, 1.0)
    feat_ref[...] = (f0_ref[...] + f1_ref[...]) / dCA

    pax = st[:, 5:6] / dCA
    pay = st[:, 6:7] / dCA
    paz = st[:, 7:8] / dCA
    dCB = jnp.maximum(cCB, 1.0)
    pbx = st[:, 8:9] / dCB
    pby = st[:, 9:10] / dCB
    pbz = st[:, 10:11] / dCB
    no_cb = (jnp.abs(pbx) + jnp.abs(pby) + jnp.abs(pbz)) < 1e-6
    pbx = jnp.where(no_cb, pax, pbx)
    pby = jnp.where(no_cb, pay, pby)
    pbz = jnp.where(no_cb, paz, pbz)

    e1x = pbx - pax
    e1y = pby - pay
    e1z = pbz - paz
    n1 = jnp.sqrt(e1x * e1x + e1y * e1y + e1z * e1z)
    d1 = jnp.maximum(n1, 1e-6)
    e1ux = e1x / d1
    e1uy = e1y / d1
    e1uz = e1z / d1
    n2a = jnp.sqrt(e1ux * e1ux + e1uy * e1uy)
    use_b = n2a < 1e-6
    e2x = jnp.where(use_b, -e1uz, e1uy)
    e2y = jnp.where(use_b, 0.0, -e1ux)
    e2z = jnp.where(use_b, e1ux, 0.0)
    n2 = jnp.sqrt(e2x * e2x + e2y * e2y + e2z * e2z)
    d2 = jnp.maximum(n2, 1e-6)
    e2ux = e2x / d2
    e2uy = e2y / d2
    e2uz = e2z / d2
    e3x = e1uy * e2uz - e1uz * e2uy
    e3y = e1uz * e2ux - e1ux * e2uz
    e3z = e1ux * e2uy - e1uy * e2ux

    blk = f0_ref.shape[0]
    ridx = (lax.broadcasted_iota(jnp.int32, (blk, 1), 0)
            + pl.program_id(0) * blk)
    valid = (n1 > 1e-6) & (n2 > 1e-6) & (ridx < R - 1)

    maskf = jnp.where((cnt >= 3.0) & (cN > 0.0) & (cCA > 0.0) & (cC > 0.0),
                      1.0, 0.0)
    misc_ref[:, 0:1] = pax
    misc_ref[:, 1:2] = pay
    misc_ref[:, 2:3] = paz
    misc_ref[:, 3:4] = pbx
    misc_ref[:, 4:5] = pby
    misc_ref[:, 5:6] = pbz
    misc_ref[:, 6:7] = jnp.where(valid, e1ux, 1.0)
    misc_ref[:, 7:8] = jnp.where(valid, e2ux, 0.0)
    misc_ref[:, 8:9] = jnp.where(valid, e3x, 0.0)
    misc_ref[:, 9:10] = jnp.where(valid, e1uy, 0.0)
    misc_ref[:, 10:11] = jnp.where(valid, e2uy, 1.0)
    misc_ref[:, 11:12] = jnp.where(valid, e3y, 0.0)
    misc_ref[:, 12:13] = jnp.where(valid, e1uz, 0.0)
    misc_ref[:, 13:14] = jnp.where(valid, e2uz, 0.0)
    misc_ref[:, 14:15] = jnp.where(valid, e3z, 1.0)
    misc_ref[:, 15:16] = maskf


def kernel(node_features, node_positions, atom_type_ids, segment_ids):
    SUB = 2560
    PAD = SUB * 128 - N_AT
    segs1 = segment_ids.astype(jnp.int32)
    types1 = atom_type_ids.astype(jnp.int32)
    segs2 = jnp.pad(segs1, (0, PAD)).reshape(SUB, 128)
    types2 = jnp.pad(types1, (0, PAD), constant_values=21).reshape(SUB, 128)
    pos_t = jnp.pad(node_positions.astype(jnp.float32).T,
                    ((0, 0), (0, PAD))).reshape(3, SUB, 128)

    B2 = 320
    grid0 = SUB // B2
    spec2 = pl.BlockSpec((B2, 128), lambda i: (i, 0))
    prep_out = pl.pallas_call(
        _prep_body,
        grid=(grid0,),
        in_specs=[spec2] * 5,
        out_specs=[spec2] * (1 + NSTAT),
        out_shape=([jax.ShapeDtypeStruct((SUB, 128), jnp.int32)]
                   + [jax.ShapeDtypeStruct((SUB, 128), jnp.float32)] * NSTAT),
    )(segs2, types2, pos_t[0], pos_t[1], pos_t[2])
    adj = prep_out[0]

    stats_wide = jnp.pad(
        jnp.stack(prep_out[1:], axis=0).reshape(NSTAT, SUB * 128)[:, :N_AT].T,
        ((0, 0), (0, H - NSTAT)))
    KR = CHUNK // 128
    adj3 = jnp.pad(adj.reshape(SUB * 128)[:N_AT].reshape(NCHUNKS, KR, 128),
                   ((0, 0), (0, 8 - KR), (0, 0)))
    seg3 = jnp.pad(segs1.reshape(NCHUNKS, KR, 128),
                   ((0, 0), (0, 8 - KR), (0, 0)))
    zf = jnp.zeros((ACC_ROWS, H), jnp.float32)

    feat_part, = _make_sc_scatter(H)(node_features, adj3, zf)
    stat_part, = _make_sc_scatter(H)(stats_wide, seg3, zf)

    f0 = feat_part[:R]
    f1 = feat_part[ACC_ROWS:ACC_ROWS + R]
    s0 = stat_part[:R]
    s1 = stat_part[ACC_ROWS:ACC_ROWS + R]

    BLK = 1000
    grid = R // BLK
    res_feat, misc = pl.pallas_call(
        _finish_body,
        grid=(grid,),
        in_specs=[pl.BlockSpec((BLK, H), lambda i: (i, 0))] * 4,
        out_specs=[
            pl.BlockSpec((BLK, H), lambda i: (i, 0)),
            pl.BlockSpec((BLK, 16), lambda i: (i, 0)),
        ],
        out_shape=[
            jax.ShapeDtypeStruct((R, H), jnp.float32),
            jax.ShapeDtypeStruct((R, 16), jnp.float32),
        ],
    )(f0, f1, s0, s1)

    pos_CA = misc[:, 0:3]
    pos_CB = misc[:, 3:6]
    frames = misc[:, 6:15].reshape(R, 3, 3)
    residue_mask = misc[:, 15] > 0.5
    return (res_feat, pos_CA, pos_CB, frames, segment_ids, residue_mask)

# --- scband reference (transcript-rebuilt; emitter-appended) ---
"""Pipeline reference for scband-geometric-gnn-24859270709373 (READ-ONLY COPY).

The authoritative reference and input builder live on the scoring server;
editing this copy changes nothing except your own understanding.
"""

import jax, jax.numpy as jnp
import numpy as np

N_ATOMS = 320000
NUM_RESIDUES = 10000
HIDDEN_DIM = 128


def setup_inputs(seed: int = 0):
    key = jax.random.key(seed)
    k1, k2, k3, k4 = jax.random.split(key, 4)
    node_features = jax.random.normal(k1, (N_ATOMS, HIDDEN_DIM), dtype=jnp.float32)
    node_positions = jax.random.normal(k2, (N_ATOMS, 3), dtype=jnp.float32) * 10.0
    atom_type_ids = jax.random.randint(k3, (N_ATOMS,), 0, 21)
    segment_ids = jnp.sort(jax.random.randint(k4, (N_ATOMS,), 0, NUM_RESIDUES))
    return {
        "node_features": node_features,
        "node_positions": node_positions,
        "atom_type_ids": atom_type_ids,
        "segment_ids": segment_ids,
    }


def _segment_mean(vals, mask_f, seg, num_segments):
    s = jax.ops.segment_sum(vals * mask_f, seg, num_segments=num_segments)
    c = jax.ops.segment_sum(mask_f, seg, num_segments=num_segments)
    return s / jnp.maximum(c, 1.0), c


def _build_frames(pos_CA, pos_CB):
    R = pos_CA.shape[0]
    e1 = pos_CB - pos_CA
    n1 = jnp.linalg.norm(e1, axis=1, keepdims=True)
    e1u = e1 / jnp.maximum(n1, 1e-6)
    z = jnp.array([0.0, 0.0, 1.0], dtype=pos_CA.dtype)
    y = jnp.array([0.0, 1.0, 0.0], dtype=pos_CA.dtype)
    e2a = jnp.cross(e1u, z[None, :])
    n2a = jnp.linalg.norm(e2a, axis=1, keepdims=True)
    e2b = jnp.cross(e1u, y[None, :])
    e2 = jnp.where(n2a < 1e-6, e2b, e2a)
    n2 = jnp.linalg.norm(e2, axis=1, keepdims=True)
    e2u = e2 / jnp.maximum(n2, 1e-6)
    e3 = jnp.cross(e1u, e2u)
    built = jnp.stack([e1u, e2u, e3], axis=2)
    idx = jnp.arange(R)
    valid = (n1[:, 0] > 1e-6) & (n2[:, 0] > 1e-6) & (idx < R - 1)
    eye = jnp.broadcast_to(jnp.eye(3, dtype=pos_CA.dtype), (R, 3, 3))
    return jnp.where(valid[:, None, None], built, eye)


def reference(node_features, node_positions, atom_type_ids, segment_ids):
    R = NUM_RESIDUES
    seg = segment_ids
    # atom_name2id: N=0, CA=1, C=2, O=3, CB=4, ...
    ca_m = (atom_type_ids == 1).astype(node_features.dtype)[:, None]
    cb_m = (atom_type_ids == 4).astype(node_features.dtype)[:, None]
    # residue features = mean of CA-atom features per residue (zeros if no CA)
    residue_features, ca_cnt = _segment_mean(node_features, ca_m, seg, R)
    # CA / CB positions scattered to residue slots
    pos_CA, _ = _segment_mean(node_positions, ca_m, seg, R)
    pos_CB, _ = _segment_mean(node_positions, cb_m, seg, R)
    no_cb = jnp.sum(jnp.abs(pos_CB), axis=1, keepdims=True) < 1e-6
    pos_CB = jnp.where(no_cb, pos_CA, pos_CB)
    frames = _build_frames(pos_CA, pos_CB)
    # residue completeness: >=3 atoms and contains N, CA, C
    ones = jnp.ones((node_features.shape[0],), dtype=jnp.float32)
    atom_cnt = jax.ops.segment_sum(ones, seg, num_segments=R)
    hasN = jax.ops.segment_max((atom_type_ids == 0).astype(jnp.float32), seg, num_segments=R) > 0
    hasCA = jax.ops.segment_max((atom_type_ids == 1).astype(jnp.float32), seg, num_segments=R) > 0
    hasC = jax.ops.segment_max((atom_type_ids == 2).astype(jnp.float32), seg, num_segments=R) > 0
    residue_mask = (atom_cnt >= 3) & hasN & hasCA & hasC
    return (residue_features, pos_CA, pos_CB, frames, segment_ids, residue_mask)

if __name__ == "__main__":
    import jax
    _d = setup_inputs()
    print(jax.jit(kernel)(*tuple(_d.values())))

</pallas_src>

<mosaic_0001>
#map = affine_map<(d0, d1) -> (0, 0)>
#map1 = affine_map<(d0, d1) -> (0, 0, 0)>
module attributes {stable_mosaic.version = 14 : i64} {
  func.func @body(%arg0: i32, %arg1: i32, %arg2: memref<320000x128xf32, #tpu.memory_space<hbm>>, %arg3: memref<2500x8x128xi32, #tpu.memory_space<hbm>>, %arg4: memref<10112x128xf32, #tpu.memory_space<hbm>>, %arg5: memref<20224x128xf32, #tpu.memory_space<hbm>>, %arg6: memref<128x128xf32, #tpu.memory_space<vmem>>, %arg7: memref<128x128xf32, #tpu.memory_space<vmem>>, %arg8: memref<8x128xi32, #tpu.memory_space<vmem>>, %arg9: memref<8x128xi32, #tpu.memory_space<vmem>>, %arg10: memref<10112x128xf32, #tpu.memory_space<vmem_shared>>, %arg11: memref<!tpu.dma_semaphore, #tpu.memory_space<semaphore_mem>>, %arg12: memref<!tpu.dma_semaphore, #tpu.memory_space<semaphore_mem>>, %arg13: memref<!tpu.dma_semaphore, #tpu.memory_space<semaphore_mem>>, %arg14: memref<!tpu.dma_semaphore, #tpu.memory_space<semaphore_mem>>) attributes {dimension_semantics = [#tpu.dimension_semantics<core_parallel>, #tpu.dimension_semantics<subcore_parallel>], iteration_bounds = array<i64: 2, 16>, scalar_prefetch = 0 : i64, scratch_operands = 9 : i64, tpu.core_type = #tpu.core_type<sc_vector_subcore>, window_params = [{transform_indices = #map}, {transform_indices = #map1}, {transform_indices = #map}, {transform_indices = #map}]} {
    %mul3A = arith.constant 16 : i32
    %mul3A_0 = arith.muli %arg0, %mul3A : i32
    %add3A = arith.addi %mul3A_0, %arg1 : i32
    %mul3A_1 = arith.constant 632 : i32
    %mul3A_2 = arith.muli %arg1, %mul3A_1 : i32
    "tpu.region"() ({
      %run_scoped3A = tpu.sem_alloc : memref<!tpu.dma_semaphore, #tpu.memory_space<semaphore_mem>>
      %dma_start3A = arith.constant 0 : i32
      %dma_start3A_14 = tpu.memref_slice %arg10[%mul3A_2, %dma_start3A] : memref<10112x128xf32, #tpu.memory_space<vmem_shared>> -> memref<632x128xf32, #tpu.memory_space<vmem_shared>>
      %dma_start3A_15 = arith.constant 0 : i32
      %dma_start3A_16 = tpu.memref_slice %arg4[%mul3A_2, %dma_start3A_15] : memref<10112x128xf32, #tpu.memory_space<hbm>> -> memref<632x128xf32, #tpu.memory_space<hbm>>
      tpu.enqueue_dma source(%dma_start3A_16 : memref<632x128xf32, #tpu.memory_space<hbm>>) target(%dma_start3A_14 : memref<632x128xf32, #tpu.memory_space<vmem_shared>>) target_semaphore(%run_scoped3A : memref<!tpu.dma_semaphore, #tpu.memory_space<semaphore_mem>>)
      %dma_wait3A = arith.constant 0 : i32
      %dma_wait3A_17 = tpu.memref_slice %arg10[%mul3A_2, %dma_wait3A] : memref<10112x128xf32, #tpu.memory_space<vmem_shared>> -> memref<632x128xf32, #tpu.memory_space<vmem_shared>>
      %dma_wait3A_18 = arith.constant 0 : i32
      %dma_wait3A_19 = tpu.memref_slice %arg4[%mul3A_2, %dma_wait3A_18] : memref<10112x128xf32, #tpu.memory_space<hbm>> -> memref<632x128xf32, #tpu.memory_space<hbm>>
      tpu.wait_dma2 semaphore(%run_scoped3A : memref<!tpu.dma_semaphore, #tpu.memory_space<semaphore_mem>>) src(%dma_wait3A_19 : memref<632x128xf32, #tpu.memory_space<hbm>>) dst(%dma_wait3A_17 : memref<632x128xf32, #tpu.memory_space<vmem_shared>>)
      tpu.yield
    }) : () -> ()
    %barrier3A = arith.constant 0 : index
    tpu.barrier barrier_id(%barrier3A)
    %lt3A = arith.constant 2500 : i32
    %lt3A_3 = arith.cmpi slt, %add3A, %lt3A : i32
    %convert_element_type3A = arith.extui %lt3A_3 : i1 to i32
    %cond3A = arith.constant 0 : i32
    %cond3A_4 = arith.cmpi ne, %convert_element_type3A, %cond3A : i32
    scf.if %cond3A_4 {
      %mul3A_14 = arith.constant 128 : i32
      %mul3A_15 = arith.muli %add3A, %mul3A_14 : i32
      %dma_start3A = arith.constant 0 : i32
      %dma_start3A_16 = tpu.memref_slice %arg2[%mul3A_15, %dma_start3A] : memref<320000x128xf32, #tpu.memory_space<hbm>> -> memref<128x128xf32, #tpu.memory_space<hbm>>
      %dma_start3A_17 = arith.constant 0 : i32
      %dma_start3A_18 = tpu.memref_slice %arg2[%mul3A_15, %dma_start3A_17] : memref<320000x128xf32, #tpu.memory_space<hbm>> -> memref<128x128xf32, #tpu.memory_space<hbm>>
      tpu.enqueue_dma source(%dma_start3A_18 : memref<128x128xf32, #tpu.memory_space<hbm>>) target(%arg6 : memref<128x128xf32, #tpu.memory_space<vmem>>) target_semaphore(%arg11 : memref<!tpu.dma_semaphore, #tpu.memory_space<semaphore_mem>>)
      %dma_start3A_19 = arith.constant 0 : i32
      %dma_start3A_20 = arith.constant 0 : i32
      %dma_start3A_21 = tpu.memref_slice %arg3[%add3A, %dma_start3A_19, %dma_start3A_20] : memref<2500x8x128xi32, #tpu.memory_space<hbm>> -> memref<1x8x128xi32, #tpu.memory_space<hbm>>
      %dma_start3A_22 = tpu.memref_squeeze %dma_start3A_21 : memref<1x8x128xi32, #tpu.memory_space<hbm>> -> memref<8x128xi32, #tpu.memory_space<hbm>>
      %dma_start3A_23 = arith.constant 0 : i32
      %dma_start3A_24 = arith.constant 0 : i32
      %dma_start3A_25 = tpu.memref_slice %arg3[%add3A, %dma_start3A_23, %dma_start3A_24] : memref<2500x8x128xi32, #tpu.memory_space<hbm>> -> memref<1x8x128xi32, #tpu.memory_space<hbm>>
      %dma_start3A_26 = tpu.memref_squeeze %dma_start3A_25 : memref<1x8x128xi32, #tpu.memory_space<hbm>> -> memref<8x128xi32, #tpu.memory_space<hbm>>
      tpu.enqueue_dma source(%dma_start3A_26 : memref<8x128xi32, #tpu.memory_space<hbm>>) target(%arg8 : memref<8x128xi32, #tpu.memory_space<vmem>>) target_semaphore(%arg12 : memref<!tpu.dma_semaphore, #tpu.memory_space<semaphore_mem>>)
    } else {
    }
    %scan3A = arith.constant 0 : i32
    %scan3A_5 = arith.constant 0 : i32
    %scan3A_6 = arith.constant 40 : i32
    %scan3A_7 = arith.addi %scan3A_5, %scan3A_6 : i32
    %scan3A_8 = arith.constant 1 : i32
    scf.for %scan3A_14 = %scan3A_5 to %scan3A_7 step %scan3A_8  : i32 {
      %mul3A_15 = arith.constant 2 : i32
      %mul3A_16 = arith.muli %mul3A_15, %scan3A_14 : i32
      %mul3A_17 = arith.constant 32 : i32
      %mul3A_18 = arith.muli %mul3A_16, %mul3A_17 : i32
      %add3A_19 = arith.addi %add3A, %mul3A_18 : i32
      %lt3A_20 = arith.constant 2500 : i32
      %lt3A_21 = arith.cmpi slt, %add3A_19, %lt3A_20 : i32
      %convert_element_type3A_22 = arith.extui %lt3A_21 : i1 to i32
      %cond3A_23 = arith.constant 0 : i32
      %cond3A_24 = arith.cmpi ne, %convert_element_type3A_22, %cond3A_23 : i32
      scf.if %cond3A_24 {
        %mul3A_32 = arith.constant 128 : i32
        %mul3A_33 = arith.muli %add3A_19, %mul3A_32 : i32
        %dma_wait3A = arith.constant 0 : i32
        %dma_wait3A_34 = tpu.memref_slice %arg2[%mul3A_33, %dma_wait3A] : memref<320000x128xf32, #tpu.memory_space<hbm>> -> memref<128x128xf32, #tpu.memory_space<hbm>>
        %dma_wait3A_35 = arith.constant 0 : i32
        %dma_wait3A_36 = tpu.memref_slice %arg2[%mul3A_33, %dma_wait3A_35] : memref<320000x128xf32, #tpu.memory_space<hbm>> -> memref<128x128xf32, #tpu.memory_space<hbm>>
        tpu.wait_dma2 semaphore(%arg11 : memref<!tpu.dma_semaphore, #tpu.memory_space<semaphore_mem>>) src(%dma_wait3A_36 : memref<128x128xf32, #tpu.memory_space<hbm>>) dst(%arg6 : memref<128x128xf32, #tpu.memory_space<vmem>>)
        %dma_wait3A_37 = arith.constant 0 : i32
        %dma_wait3A_38 = arith.constant 0 : i32
        %dma_wait3A_39 = tpu.memref_slice %arg3[%add3A_19, %dma_wait3A_37, %dma_wait3A_38] : memref<2500x8x128xi32, #tpu.memory_space<hbm>> -> memref<1x8x128xi32, #tpu.memory_space<hbm>>
        %dma_wait3A_40 = tpu.memref_squeeze %dma_wait3A_39 : memref<1x8x128xi32, #tpu.memory_space<hbm>> -> memref<8x128xi32, #tpu.memory_space<hbm>>
        %dma_wait3A_41 = arith.constant 0 : i32
        %dma_wait3A_42 = arith.constant 0 : i32
        %dma_wait3A_43 = tpu.memref_slice %arg3[%add3A_19, %dma_wait3A_41, %dma_wait3A_42] : memref<2500x8x128xi32, #tpu.memory_space<hbm>> -> memref<1x8x128xi32, #tpu.memory_space<hbm>>
        %dma_wait3A_44 = tpu.memref_squeeze %dma_wait3A_43 : memref<1x8x128xi32, #tpu.memory_space<hbm>> -> memref<8x128xi32, #tpu.memory_space<hbm>>
        tpu.wait_dma2 semaphore(%arg12 : memref<!tpu.dma_semaphore, #tpu.memory_space<semaphore_mem>>) src(%dma_wait3A_44 : memref<8x128xi32, #tpu.memory_space<hbm>>) dst(%arg8 : memref<8x128xi32, #tpu.memory_space<vmem>>)
        %add3A_45 = arith.constant 32 : i32
        %add3A_46 = arith.addi %add3A_19, %add3A_45 : i32
        %lt3A_47 = arith.constant 2500 : i32
        %lt3A_48 = arith.cmpi slt, %add3A_46, %lt3A_47 : i32
        %convert_element_type3A_49 = arith.extui %lt3A_48 : i1 to i32
        %cond3A_50 = arith.constant 0 : i32
        %cond3A_51 = arith.cmpi ne, %convert_element_type3A_49, %cond3A_50 : i32
        scf.if %cond3A_51 {
          %add3A_52 = arith.constant 32 : i32
          %add3A_53 = arith.addi %add3A_19, %add3A_52 : i32
          %mul3A_54 = arith.constant 128 : i32
          %mul3A_55 = arith.muli %add3A_53, %mul3A_54 : i32
          %dma_start3A = arith.constant 0 : i32
          %dma_start3A_56 = tpu.memref_slice %arg2[%mul3A_55, %dma_start3A] : memref<320000x128xf32, #tpu.memory_space<hbm>> -> memref<128x128xf32, #tpu.memory_space<hbm>>
          %dma_start3A_57 = arith.constant 0 : i32
          %dma_start3A_58 = tpu.memref_slice %arg2[%mul3A_55, %dma_start3A_57] : memref<320000x128xf32, #tpu.memory_space<hbm>> -> memref<128x128xf32, #tpu.memory_space<hbm>>
          tpu.enqueue_dma source(%dma_start3A_58 : memref<128x128xf32, #tpu.memory_space<hbm>>) target(%arg7 : memref<128x128xf32, #tpu.memory_space<vmem>>) target_semaphore(%arg13 : memref<!tpu.dma_semaphore, #tpu.memory_space<semaphore_mem>>)
          %dma_start3A_59 = arith.constant 0 : i32
          %dma_start3A_60 = arith.constant 0 : i32
          %dma_start3A_61 = tpu.memref_slice %arg3[%add3A_53, %dma_start3A_59, %dma_start3A_60] : memref<2500x8x128xi32, #tpu.memory_space<hbm>> -> memref<1x8x128xi32, #tpu.memory_space<hbm>>
          %dma_start3A_62 = tpu.memref_squeeze %dma_start3A_61 : memref<1x8x128xi32, #tpu.memory_space<hbm>> -> memref<8x128xi32, #tpu.memory_space<hbm>>
          %dma_start3A_63 = arith.constant 0 : i32
          %dma_start3A_64 = arith.constant 0 : i32
          %dma_start3A_65 = tpu.memref_slice %arg3[%add3A_53, %dma_start3A_63, %dma_start3A_64] : memref<2500x8x128xi32, #tpu.memory_space<hbm>> -> memref<1x8x128xi32, #tpu.memory_space<hbm>>
          %dma_start3A_66 = tpu.memref_squeeze %dma_start3A_65 : memref<1x8x128xi32, #tpu.memory_space<hbm>> -> memref<8x128xi32, #tpu.memory_space<hbm>>
          tpu.enqueue_dma source(%dma_start3A_66 : memref<8x128xi32, #tpu.memory_space<hbm>>) target(%arg9 : memref<8x128xi32, #tpu.memory_space<vmem>>) target_semaphore(%arg14 : memref<!tpu.dma_semaphore, #tpu.memory_space<semaphore_mem>>)
        } else {
        }
        %run_scoped3A = arith.constant 0 : i32
        "tpu.region"() ({
          %run_scoped3A_52 = tpu.sem_alloc : memref<!tpu.dma_semaphore, #tpu.memory_space<semaphore_mem>>
          %dma_start3A = arith.constant 0 : i32
          %dma_start3A_53 = tpu.memref_slice %arg8[%run_scoped3A, %dma_start3A] : memref<8x128xi32, #tpu.memory_space<vmem>> -> memref<1x128xi32, #tpu.memory_space<vmem>>
          %dma_start3A_54 = tpu.memref_squeeze %dma_start3A_53 : memref<1x128xi32, #tpu.memory_space<vmem>> -> memref<128xi32, #tpu.memory_space<vmem>>
          %dma_start3A_55 = arith.constant 0 : i32
          %dma_start3A_56 = arith.constant 0 : i32
          %dma_start3A_57 = tpu.memref_slice %arg10[%dma_start3A_55, %dma_start3A_56] : memref<10112x128xf32, #tpu.memory_space<vmem_shared>> -> memref<10112x128xf32, #tpu.memory_space<vmem_shared>>
          tpu.enqueue_indirect_dma source(%arg6 : memref<128x128xf32, #tpu.memory_space<vmem>>) target(%dma_start3A_57 : memref<10112x128xf32, #tpu.memory_space<vmem_shared>>) offsets(%dma_start3A_54 : memref<128xi32, #tpu.memory_space<vmem>>) semaphore(%run_scoped3A_52 : memref<!tpu.dma_semaphore, #tpu.memory_space<semaphore_mem>>) {add = true}
          %dma_wait3A_58 = arith.constant 0 : i32
          %dma_wait3A_59 = tpu.memref_slice %arg8[%run_scoped3A, %dma_wait3A_58] : memref<8x128xi32, #tpu.memory_space<vmem>> -> memref<1x128xi32, #tpu.memory_space<vmem>>
          %dma_wait3A_60 = tpu.memref_squeeze %dma_wait3A_59 : memref<1x128xi32, #tpu.memory_space<vmem>> -> memref<128xi32, #tpu.memory_space<vmem>>
          %dma_wait3A_61 = arith.constant 0 : i32
          %dma_wait3A_62 = arith.constant 0 : i32
          %dma_wait3A_63 = tpu.memref_slice %arg10[%dma_wait3A_61, %dma_wait3A_62] : memref<10112x128xf32, #tpu.memory_space<vmem_shared>> -> memref<10112x128xf32, #tpu.memory_space<vmem_shared>>
          tpu.wait_indirect_dma semaphore(%run_scoped3A_52 : memref<!tpu.dma_semaphore, #tpu.memory_space<semaphore_mem>>) src(%arg6 : memref<128x128xf32, #tpu.memory_space<vmem>>) dst(%dma_wait3A_63 : memref<10112x128xf32, #tpu.memory_space<vmem_shared>>)
          tpu.yield
        }) : () -> ()
      } else {
      }
      %add3A_25 = arith.constant 32 : i32
      %add3A_26 = arith.addi %add3A_19, %add3A_25 : i32
      %lt3A_27 = arith.constant 2500 : i32
      %lt3A_28 = arith.cmpi slt, %add3A_26, %lt3A_27 : i32
      %convert_element_type3A_29 = arith.extui %lt3A_28 : i1 to i32
      %cond3A_30 = arith.constant 0 : i32
      %cond3A_31 = arith.cmpi ne, %convert_element_type3A_29, %cond3A_30 : i32
      scf.if %cond3A_31 {
        %mul3A_32 = arith.constant 128 : i32
        %mul3A_33 = arith.muli %add3A_26, %mul3A_32 : i32
        %dma_wait3A = arith.constant 0 : i32
        %dma_wait3A_34 = tpu.memref_slice %arg2[%mul3A_33, %dma_wait3A] : memref<320000x128xf32, #tpu.memory_space<hbm>> -> memref<128x128xf32, #tpu.memory_space<hbm>>
        %dma_wait3A_35 = arith.constant 0 : i32
        %dma_wait3A_36 = tpu.memref_slice %arg2[%mul3A_33, %dma_wait3A_35] : memref<320000x128xf32, #tpu.memory_space<hbm>> -> memref<128x128xf32, #tpu.memory_space<hbm>>
        tpu.wait_dma2 semaphore(%arg13 : memref<!tpu.dma_semaphore, #tpu.memory_space<semaphore_mem>>) src(%dma_wait3A_36 : memref<128x128xf32, #tpu.memory_space<hbm>>) dst(%arg7 : memref<128x128xf32, #tpu.memory_space<vmem>>)
        %dma_wait3A_37 = arith.constant 0 : i32
        %dma_wait3A_38 = arith.constant 0 : i32
        %dma_wait3A_39 = tpu.memref_slice %arg3[%add3A_26, %dma_wait3A_37, %dma_wait3A_38] : memref<2500x8x128xi32, #tpu.memory_space<hbm>> -> memref<1x8x128xi32, #tpu.memory_space<hbm>>
        %dma_wait3A_40 = tpu.memref_squeeze %dma_wait3A_39 : memref<1x8x128xi32, #tpu.memory_space<hbm>> -> memref<8x128xi32, #tpu.memory_space<hbm>>
        %dma_wait3A_41 = arith.constant 0 : i32
        %dma_wait3A_42 = arith.constant 0 : i32
        %dma_wait3A_43 = tpu.memref_slice %arg3[%add3A_26, %dma_wait3A_41, %dma_wait3A_42] : memref<2500x8x128xi32, #tpu.memory_space<hbm>> -> memref<1x8x128xi32, #tpu.memory_space<hbm>>
        %dma_wait3A_44 = tpu.memref_squeeze %dma_wait3A_43 : memref<1x8x128xi32, #tpu.memory_space<hbm>> -> memref<8x128xi32, #tpu.memory_space<hbm>>
        tpu.wait_dma2 semaphore(%arg14 : memref<!tpu.dma_semaphore, #tpu.memory_space<semaphore_mem>>) src(%dma_wait3A_44 : memref<8x128xi32, #tpu.memory_space<hbm>>) dst(%arg9 : memref<8x128xi32, #tpu.memory_space<vmem>>)
        %add3A_45 = arith.constant 32 : i32
        %add3A_46 = arith.addi %add3A_26, %add3A_45 : i32
        %lt3A_47 = arith.constant 2500 : i32
        %lt3A_48 = arith.cmpi slt, %add3A_46, %lt3A_47 : i32
        %convert_element_type3A_49 = arith.extui %lt3A_48 : i1 to i32
        %cond3A_50 = arith.constant 0 : i32
        %cond3A_51 = arith.cmpi ne, %convert_element_type3A_49, %cond3A_50 : i32
        scf.if %cond3A_51 {
          %add3A_52 = arith.constant 32 : i32
          %add3A_53 = arith.addi %add3A_26, %add3A_52 : i32
          %mul3A_54 = arith.constant 128 : i32
          %mul3A_55 = arith.muli %add3A_53, %mul3A_54 : i32
          %dma_start3A = arith.constant 0 : i32
          %dma_start3A_56 = tpu.memref_slice %arg2[%mul3A_55, %dma_start3A] : memref<320000x128xf32, #tpu.memory_space<hbm>> -> memref<128x128xf32, #tpu.memory_space<hbm>>
          %dma_start3A_57 = arith.constant 0 : i32
          %dma_start3A_58 = tpu.memref_slice %arg2[%mul3A_55, %dma_start3A_57] : memref<320000x128xf32, #tpu.memory_space<hbm>> -> memref<128x128xf32, #tpu.memory_space<hbm>>
          tpu.enqueue_dma source(%dma_start3A_58 : memref<128x128xf32, #tpu.memory_space<hbm>>) target(%arg6 : memref<128x128xf32, #tpu.memory_space<vmem>>) target_semaphore(%arg11 : memref<!tpu.dma_semaphore, #tpu.memory_space<semaphore_mem>>)
          %dma_start3A_59 = arith.constant 0 : i32
          %dma_start3A_60 = arith.constant 0 : i32
          %dma_start3A_61 = tpu.memref_slice %arg3[%add3A_53, %dma_start3A_59, %dma_start3A_60] : memref<2500x8x128xi32, #tpu.memory_space<hbm>> -> memref<1x8x128xi32, #tpu.memory_space<hbm>>
          %dma_start3A_62 = tpu.memref_squeeze %dma_start3A_61 : memref<1x8x128xi32, #tpu.memory_space<hbm>> -> memref<8x128xi32, #tpu.memory_space<hbm>>
          %dma_start3A_63 = arith.constant 0 : i32
          %dma_start3A_64 = arith.constant 0 : i32
          %dma_start3A_65 = tpu.memref_slice %arg3[%add3A_53, %dma_start3A_63, %dma_start3A_64] : memref<2500x8x128xi32, #tpu.memory_space<hbm>> -> memref<1x8x128xi32, #tpu.memory_space<hbm>>
          %dma_start3A_66 = tpu.memref_squeeze %dma_start3A_65 : memref<1x8x128xi32, #tpu.memory_space<hbm>> -> memref<8x128xi32, #tpu.memory_space<hbm>>
          tpu.enqueue_dma source(%dma_start3A_66 : memref<8x128xi32, #tpu.memory_space<hbm>>) target(%arg8 : memref<8x128xi32, #tpu.memory_space<vmem>>) target_semaphore(%arg12 : memref<!tpu.dma_semaphore, #tpu.memory_space<semaphore_mem>>)
        } else {
        }
        %run_scoped3A = arith.constant 0 : i32
        "tpu.region"() ({
          %run_scoped3A_52 = tpu.sem_alloc : memref<!tpu.dma_semaphore, #tpu.memory_space<semaphore_mem>>
          %dma_start3A = arith.constant 0 : i32
          %dma_start3A_53 = tpu.memref_slice %arg9[%run_scoped3A, %dma_start3A] : memref<8x128xi32, #tpu.memory_space<vmem>> -> memref<1x128xi32, #tpu.memory_space<vmem>>
          %dma_start3A_54 = tpu.memref_squeeze %dma_start3A_53 : memref<1x128xi32, #tpu.memory_space<vmem>> -> memref<128xi32, #tpu.memory_space<vmem>>
          %dma_start3A_55 = arith.constant 0 : i32
          %dma_start3A_56 = arith.constant 0 : i32
          %dma_start3A_57 = tpu.memref_slice %arg10[%dma_start3A_55, %dma_start3A_56] : memref<10112x128xf32, #tpu.memory_space<vmem_shared>> -> memref<10112x128xf32, #tpu.memory_space<vmem_shared>>
          tpu.enqueue_indirect_dma source(%arg7 : memref<128x128xf32, #tpu.memory_space<vmem>>) target(%dma_start3A_57 : memref<10112x128xf32, #tpu.memory_space<vmem_shared>>) offsets(%dma_start3A_54 : memref<128xi32, #tpu.memory_space<vmem>>) semaphore(%run_scoped3A_52 : memref<!tpu.dma_semaphore, #tpu.memory_space<semaphore_mem>>) {add = true}
          %dma_wait3A_58 = arith.constant 0 : i32
          %dma_wait3A_59 = tpu.memref_slice %arg9[%run_scoped3A, %dma_wait3A_58] : memref<8x128xi32, #tpu.memory_space<vmem>> -> memref<1x128xi32, #tpu.memory_space<vmem>>
          %dma_wait3A_60 = tpu.memref_squeeze %dma_wait3A_59 : memref<1x128xi32, #tpu.memory_space<vmem>> -> memref<128xi32, #tpu.memory_space<vmem>>
          %dma_wait3A_61 = arith.constant 0 : i32
          %dma_wait3A_62 = arith.constant 0 : i32
          %dma_wait3A_63 = tpu.memref_slice %arg10[%dma_wait3A_61, %dma_wait3A_62] : memref<10112x128xf32, #tpu.memory_space<vmem_shared>> -> memref<10112x128xf32, #tpu.memory_space<vmem_shared>>
          tpu.wait_indirect_dma semaphore(%run_scoped3A_52 : memref<!tpu.dma_semaphore, #tpu.memory_space<semaphore_mem>>) src(%arg7 : memref<128x128xf32, #tpu.memory_space<vmem>>) dst(%dma_wait3A_63 : memref<10112x128xf32, #tpu.memory_space<vmem_shared>>)
          tpu.yield
        }) : () -> ()
      } else {
      }
    }
    %scan3A_9 = arith.constant 40 : i32
    %barrier3A_10 = arith.constant 0 : index
    tpu.barrier barrier_id(%barrier3A_10)
    %mul3A_11 = arith.constant 10112 : i32
    %mul3A_12 = arith.muli %arg0, %mul3A_11 : i32
    %add3A_13 = arith.addi %mul3A_12, %mul3A_2 : i32
    "tpu.region"() ({
      %run_scoped3A = tpu.sem_alloc : memref<!tpu.dma_semaphore, #tpu.memory_space<semaphore_mem>>
      %dma_start3A = arith.constant 0 : i32
      %dma_start3A_14 = tpu.memref_slice %arg5[%add3A_13, %dma_start3A] : memref<20224x128xf32, #tpu.memory_space<hbm>> -> memref<632x128xf32, #tpu.memory_space<hbm>>
      %dma_start3A_15 = arith.constant 0 : i32
      %dma_start3A_16 = tpu.memref_slice %arg10[%mul3A_2, %dma_start3A_15] : memref<10112x128xf32, #tpu.memory_space<vmem_shared>> -> memref<632x128xf32, #tpu.memory_space<vmem_shared>>
      tpu.enqueue_dma source(%dma_start3A_16 : memref<632x128xf32, #tpu.memory_space<vmem_shared>>) target(%dma_start3A_14 : memref<632x128xf32, #tpu.memory_space<hbm>>) target_semaphore(%run_scoped3A : memref<!tpu.dma_semaphore, #tpu.memory_space<semaphore_mem>>)
      %dma_wait3A = arith.constant 0 : i32
      %dma_wait3A_17 = tpu.memref_slice %arg5[%add3A_13, %dma_wait3A] : memref<20224x128xf32, #tpu.memory_space<hbm>> -> memref<632x128xf32, #tpu.memory_space<hbm>>
      %dma_wait3A_18 = arith.constant 0 : i32
      %dma_wait3A_19 = tpu.memref_slice %arg10[%mul3A_2, %dma_wait3A_18] : memref<10112x128xf32, #tpu.memory_space<vmem_shared>> -> memref<632x128xf32, #tpu.memory_space<vmem_shared>>
      tpu.wait_dma2 semaphore(%run_scoped3A : memref<!tpu.dma_semaphore, #tpu.memory_space<semaphore_mem>>) src(%dma_wait3A_19 : memref<632x128xf32, #tpu.memory_space<vmem_shared>>) dst(%dma_wait3A_17 : memref<632x128xf32, #tpu.memory_space<hbm>>)
      tpu.yield
    }) : () -> ()
    return
  }
}

#map = affine_map<(d0, d1) -> (0, 0)>
#map1 = affine_map<(d0, d1) -> (0, 0, 0)>
module attributes {stable_mosaic.version = 14 : i64} {
  func.func @body(%arg0: i32, %arg1: i32, %arg2: memref<320000x128xf32, #tpu.memory_space<hbm>>, %arg3: memref<2500x8x128xi32, #tpu.memory_space<hbm>>, %arg4: memref<10112x128xf32, #tpu.memory_space<hbm>>, %arg5: memref<20224x128xf32, #tpu.memory_space<hbm>>, %arg6: memref<128x128xf32, #tpu.memory_space<vmem>>, %arg7: memref<128x128xf32, #tpu.memory_space<vmem>>, %arg8: memref<8x128xi32, #tpu.memory_space<vmem>>, %arg9: memref<8x128xi32, #tpu.memory_space<vmem>>, %arg10: memref<10112x128xf32, #tpu.memory_space<vmem_shared>>, %arg11: memref<!tpu.dma_semaphore, #tpu.memory_space<semaphore_mem>>, %arg12: memref<!tpu.dma_semaphore, #tpu.memory_space<semaphore_mem>>, %arg13: memref<!tpu.dma_semaphore, #tpu.memory_space<semaphore_mem>>, %arg14: memref<!tpu.dma_semaphore, #tpu.memory_space<semaphore_mem>>) attributes {dimension_semantics = [#tpu.dimension_semantics<core_parallel>, #tpu.dimension_semantics<subcore_parallel>], iteration_bounds = array<i64: 2, 16>, scalar_prefetch = 0 : i64, scratch_operands = 9 : i64, tpu.core_type = #tpu.core_type<sc_vector_subcore>, window_params = [{transform_indices = #map}, {transform_indices = #map1}, {transform_indices = #map}, {transform_indices = #map}]} {
    %mul3A = arith.constant 16 : i32
    %mul3A_0 = arith.muli %arg0, %mul3A : i32
    %add3A = arith.addi %mul3A_0, %arg1 : i32
    %mul3A_1 = arith.constant 632 : i32
    %mul3A_2 = arith.muli %arg1, %mul3A_1 : i32
    "tpu.region"() ({
      %run_scoped3A = tpu.sem_alloc : memref<!tpu.dma_semaphore, #tpu.memory_space<semaphore_mem>>
      %dma_start3A = arith.constant 0 : i32
      %dma_start3A_14 = tpu.memref_slice %arg10[%mul3A_2, %dma_start3A] : memref<10112x128xf32, #tpu.memory_space<vmem_shared>> -> memref<632x128xf32, #tpu.memory_space<vmem_shared>>
      %dma_start3A_15 = arith.constant 0 : i32
      %dma_start3A_16 = tpu.memref_slice %arg4[%mul3A_2, %dma_start3A_15] : memref<10112x128xf32, #tpu.memory_space<hbm>> -> memref<632x128xf32, #tpu.memory_space<hbm>>
      tpu.enqueue_dma source(%dma_start3A_16 : memref<632x128xf32, #tpu.memory_space<hbm>>) target(%dma_start3A_14 : memref<632x128xf32, #tpu.memory_space<vmem_shared>>) target_semaphore(%run_scoped3A : memref<!tpu.dma_semaphore, #tpu.memory_space<semaphore_mem>>)
      %dma_wait3A = arith.constant 0 : i32
      %dma_wait3A_17 = tpu.memref_slice %arg10[%mul3A_2, %dma_wait3A] : memref<10112x128xf32, #tpu.memory_space<vmem_shared>> -> memref<632x128xf32, #tpu.memory_space<vmem_shared>>
      %dma_wait3A_18 = arith.constant 0 : i32
      %dma_wait3A_19 = tpu.memref_slice %arg4[%mul3A_2, %dma_wait3A_18] : memref<10112x128xf32, #tpu.memory_space<hbm>> -> memref<632x128xf32, #tpu.memory_space<hbm>>
      tpu.wait_dma2 semaphore(%run_scoped3A : memref<!tpu.dma_semaphore, #tpu.memory_space<semaphore_mem>>) src(%dma_wait3A_19 : memref<632x128xf32, #tpu.memory_space<hbm>>) dst(%dma_wait3A_17 : memref<632x128xf32, #tpu.memory_space<vmem_shared>>)
      tpu.yield
    }) : () -> ()
    %barrier3A = arith.constant 0 : index
    tpu.barrier barrier_id(%barrier3A)
    %lt3A = arith.constant 2500 : i32
    %lt3A_3 = arith.cmpi slt, %add3A, %lt3A : i32
    %convert_element_type3A = arith.extui %lt3A_3 : i1 to i32
    %cond3A = arith.constant 0 : i32
    %cond3A_4 = arith.cmpi ne, %convert_element_type3A, %cond3A : i32
    scf.if %cond3A_4 {
      %mul3A_14 = arith.constant 128 : i32
      %mul3A_15 = arith.muli %add3A, %mul3A_14 : i32
      %dma_start3A = arith.constant 0 : i32
      %dma_start3A_16 = tpu.memref_slice %arg2[%mul3A_15, %dma_start3A] : memref<320000x128xf32, #tpu.memory_space<hbm>> -> memref<128x128xf32, #tpu.memory_space<hbm>>
      %dma_start3A_17 = arith.constant 0 : i32
      %dma_start3A_18 = tpu.memref_slice %arg2[%mul3A_15, %dma_start3A_17] : memref<320000x128xf32, #tpu.memory_space<hbm>> -> memref<128x128xf32, #tpu.memory_space<hbm>>
      tpu.enqueue_dma source(%dma_start3A_18 : memref<128x128xf32, #tpu.memory_space<hbm>>) target(%arg6 : memref<128x128xf32, #tpu.memory_space<vmem>>) target_semaphore(%arg11 : memref<!tpu.dma_semaphore, #tpu.memory_space<semaphore_mem>>)
      %dma_start3A_19 = arith.constant 0 : i32
      %dma_start3A_20 = arith.constant 0 : i32
      %dma_start3A_21 = tpu.memref_slice %arg3[%add3A, %dma_start3A_19, %dma_start3A_20] : memref<2500x8x128xi32, #tpu.memory_space<hbm>> -> memref<1x8x128xi32, #tpu.memory_space<hbm>>
      %dma_start3A_22 = tpu.memref_squeeze %dma_start3A_21 : memref<1x8x128xi32, #tpu.memory_space<hbm>> -> memref<8x128xi32, #tpu.memory_space<hbm>>
      %dma_start3A_23 = arith.constant 0 : i32
      %dma_start3A_24 = arith.constant 0 : i32
      %dma_start3A_25 = tpu.memref_slice %arg3[%add3A, %dma_start3A_23, %dma_start3A_24] : memref<2500x8x128xi32, #tpu.memory_space<hbm>> -> memref<1x8x128xi32, #tpu.memory_space<hbm>>
      %dma_start3A_26 = tpu.memref_squeeze %dma_start3A_25 : memref<1x8x128xi32, #tpu.memory_space<hbm>> -> memref<8x128xi32, #tpu.memory_space<hbm>>
      tpu.enqueue_dma source(%dma_start3A_26 : memref<8x128xi32, #tpu.memory_space<hbm>>) target(%arg8 : memref<8x128xi32, #tpu.memory_space<vmem>>) target_semaphore(%arg12 : memref<!tpu.dma_semaphore, #tpu.memory_space<semaphore_mem>>)
    } else {
    }
    %scan3A = arith.constant 0 : i32
    %scan3A_5 = arith.constant 0 : i32
    %scan3A_6 = arith.constant 40 : i32
    %scan3A_7 = arith.addi %scan3A_5, %scan3A_6 : i32
    %scan3A_8 = arith.constant 1 : i32
    scf.for %scan3A_14 = %scan3A_5 to %scan3A_7 step %scan3A_8  : i32 {
      %mul3A_15 = arith.constant 2 : i32
      %mul3A_16 = arith.muli %mul3A_15, %scan3A_14 : i32
      %mul3A_17 = arith.constant 32 : i32
      %mul3A_18 = arith.muli %mul3A_16, %mul3A_17 : i32
      %add3A_19 = arith.addi %add3A, %mul3A_18 : i32
      %lt3A_20 = arith.constant 2500 : i32
      %lt3A_21 = arith.cmpi slt, %add3A_19, %lt3A_20 : i32
      %convert_element_type3A_22 = arith.extui %lt3A_21 : i1 to i32
      %cond3A_23 = arith.constant 0 : i32
      %cond3A_24 = arith.cmpi ne, %convert_element_type3A_22, %cond3A_23 : i32
      scf.if %cond3A_24 {
        %mul3A_32 = arith.constant 128 : i32
        %mul3A_33 = arith.muli %add3A_19, %mul3A_32 : i32
        %dma_wait3A = arith.constant 0 : i32
        %dma_wait3A_34 = tpu.memref_slice %arg2[%mul3A_33, %dma_wait3A] : memref<320000x128xf32, #tpu.memory_space<hbm>> -> memref<128x128xf32, #tpu.memory_space<hbm>>
        %dma_wait3A_35 = arith.constant 0 : i32
        %dma_wait3A_36 = tpu.memref_slice %arg2[%mul3A_33, %dma_wait3A_35] : memref<320000x128xf32, #tpu.memory_space<hbm>> -> memref<128x128xf32, #tpu.memory_space<hbm>>
        tpu.wait_dma2 semaphore(%arg11 : memref<!tpu.dma_semaphore, #tpu.memory_space<semaphore_mem>>) src(%dma_wait3A_36 : memref<128x128xf32, #tpu.memory_space<hbm>>) dst(%arg6 : memref<128x128xf32, #tpu.memory_space<vmem>>)
        %dma_wait3A_37 = arith.constant 0 : i32
        %dma_wait3A_38 = arith.constant 0 : i32
        %dma_wait3A_39 = tpu.memref_slice %arg3[%add3A_19, %dma_wait3A_37, %dma_wait3A_38] : memref<2500x8x128xi32, #tpu.memory_space<hbm>> -> memref<1x8x128xi32, #tpu.memory_space<hbm>>
        %dma_wait3A_40 = tpu.memref_squeeze %dma_wait3A_39 : memref<1x8x128xi32, #tpu.memory_space<hbm>> -> memref<8x128xi32, #tpu.memory_space<hbm>>
        %dma_wait3A_41 = arith.constant 0 : i32
        %dma_wait3A_42 = arith.constant 0 : i32
        %dma_wait3A_43 = tpu.memref_slice %arg3[%add3A_19, %dma_wait3A_41, %dma_wait3A_42] : memref<2500x8x128xi32, #tpu.memory_space<hbm>> -> memref<1x8x128xi32, #tpu.memory_space<hbm>>
        %dma_wait3A_44 = tpu.memref_squeeze %dma_wait3A_43 : memref<1x8x128xi32, #tpu.memory_space<hbm>> -> memref<8x128xi32, #tpu.memory_space<hbm>>
        tpu.wait_dma2 semaphore(%arg12 : memref<!tpu.dma_semaphore, #tpu.memory_space<semaphore_mem>>) src(%dma_wait3A_44 : memref<8x128xi32, #tpu.memory_space<hbm>>) dst(%arg8 : memref<8x128xi32, #tpu.memory_space<vmem>>)
        %add3A_45 = arith.constant 32 : i32
        %add3A_46 = arith.addi %add3A_19, %add3A_45 : i32
        %lt3A_47 = arith.constant 2500 : i32
        %lt3A_48 = arith.cmpi slt, %add3A_46, %lt3A_47 : i32
        %convert_element_type3A_49 = arith.extui %lt3A_48 : i1 to i32
        %cond3A_50 = arith.constant 0 : i32
        %cond3A_51 = arith.cmpi ne, %convert_element_type3A_49, %cond3A_50 : i32
        scf.if %cond3A_51 {
          %add3A_52 = arith.constant 32 : i32
          %add3A_53 = arith.addi %add3A_19, %add3A_52 : i32
          %mul3A_54 = arith.constant 128 : i32
          %mul3A_55 = arith.muli %add3A_53, %mul3A_54 : i32
          %dma_start3A = arith.constant 0 : i32
          %dma_start3A_56 = tpu.memref_slice %arg2[%mul3A_55, %dma_start3A] : memref<320000x128xf32, #tpu.memory_space<hbm>> -> memref<128x128xf32, #tpu.memory_space<hbm>>
          %dma_start3A_57 = arith.constant 0 : i32
          %dma_start3A_58 = tpu.memref_slice %arg2[%mul3A_55, %dma_start3A_57] : memref<320000x128xf32, #tpu.memory_space<hbm>> -> memref<128x128xf32, #tpu.memory_space<hbm>>
          tpu.enqueue_dma source(%dma_start3A_58 : memref<128x128xf32, #tpu.memory_space<hbm>>) target(%arg7 : memref<128x128xf32, #tpu.memory_space<vmem>>) target_semaphore(%arg13 : memref<!tpu.dma_semaphore, #tpu.memory_space<semaphore_mem>>)
          %dma_start3A_59 = arith.constant 0 : i32
          %dma_start3A_60 = arith.constant 0 : i32
          %dma_start3A_61 = tpu.memref_slice %arg3[%add3A_53, %dma_start3A_59, %dma_start3A_60] : memref<2500x8x128xi32, #tpu.memory_space<hbm>> -> memref<1x8x128xi32, #tpu.memory_space<hbm>>
          %dma_start3A_62 = tpu.memref_squeeze %dma_start3A_61 : memref<1x8x128xi32, #tpu.memory_space<hbm>> -> memref<8x128xi32, #tpu.memory_space<hbm>>
          %dma_start3A_63 = arith.constant 0 : i32
          %dma_start3A_64 = arith.constant 0 : i32
          %dma_start3A_65 = tpu.memref_slice %arg3[%add3A_53, %dma_start3A_63, %dma_start3A_64] : memref<2500x8x128xi32, #tpu.memory_space<hbm>> -> memref<1x8x128xi32, #tpu.memory_space<hbm>>
          %dma_start3A_66 = tpu.memref_squeeze %dma_start3A_65 : memref<1x8x128xi32, #tpu.memory_space<hbm>> -> memref<8x128xi32, #tpu.memory_space<hbm>>
          tpu.enqueue_dma source(%dma_start3A_66 : memref<8x128xi32, #tpu.memory_space<hbm>>) target(%arg9 : memref<8x128xi32, #tpu.memory_space<vmem>>) target_semaphore(%arg14 : memref<!tpu.dma_semaphore, #tpu.memory_space<semaphore_mem>>)
        } else {
        }
        %run_scoped3A = arith.constant 0 : i32
        "tpu.region"() ({
          %run_scoped3A_52 = tpu.sem_alloc : memref<!tpu.dma_semaphore, #tpu.memory_space<semaphore_mem>>
          %dma_start3A = arith.constant 0 : i32
          %dma_start3A_53 = tpu.memref_slice %arg8[%run_scoped3A, %dma_start3A] : memref<8x128xi32, #tpu.memory_space<vmem>> -> memref<1x128xi32, #tpu.memory_space<vmem>>
          %dma_start3A_54 = tpu.memref_squeeze %dma_start3A_53 : memref<1x128xi32, #tpu.memory_space<vmem>> -> memref<128xi32, #tpu.memory_space<vmem>>
          %dma_start3A_55 = arith.constant 0 : i32
          %dma_start3A_56 = arith.constant 0 : i32
          %dma_start3A_57 = tpu.memref_slice %arg10[%dma_start3A_55, %dma_start3A_56] : memref<10112x128xf32, #tpu.memory_space<vmem_shared>> -> memref<10112x128xf32, #tpu.memory_space<vmem_shared>>
          tpu.enqueue_indirect_dma source(%arg6 : memref<128x128xf32, #tpu.memory_space<vmem>>) target(%dma_start3A_57 : memref<10112x128xf32, #tpu.memory_space<vmem_shared>>) offsets(%dma_start3A_54 : memref<128xi32, #tpu.memory_space<vmem>>) semaphore(%run_scoped3A_52 : memref<!tpu.dma_semaphore, #tpu.memory_space<semaphore_mem>>) {add = true}
          %dma_wait3A_58 = arith.constant 0 : i32
          %dma_wait3A_59 = tpu.memref_slice %arg8[%run_scoped3A, %dma_wait3A_58] : memref<8x128xi32, #tpu.memory_space<vmem>> -> memref<1x128xi32, #tpu.memory_space<vmem>>
          %dma_wait3A_60 = tpu.memref_squeeze %dma_wait3A_59 : memref<1x128xi32, #tpu.memory_space<vmem>> -> memref<128xi32, #tpu.memory_space<vmem>>
          %dma_wait3A_61 = arith.constant 0 : i32
          %dma_wait3A_62 = arith.constant 0 : i32
          %dma_wait3A_63 = tpu.memref_slice %arg10[%dma_wait3A_61, %dma_wait3A_62] : memref<10112x128xf32, #tpu.memory_space<vmem_shared>> -> memref<10112x128xf32, #tpu.memory_space<vmem_shared>>
          tpu.wait_indirect_dma semaphore(%run_scoped3A_52 : memref<!tpu.dma_semaphore, #tpu.memory_space<semaphore_mem>>) src(%arg6 : memref<128x128xf32, #tpu.memory_space<vmem>>) dst(%dma_wait3A_63 : memref<10112x128xf32, #tpu.memory_space<vmem_shared>>)
          tpu.yield
        }) : () -> ()
      } else {
      }
      %add3A_25 = arith.constant 32 : i32
      %add3A_26 = arith.addi %add3A_19, %add3A_25 : i32
      %lt3A_27 = arith.constant 2500 : i32
      %lt3A_28 = arith.cmpi slt, %add3A_26, %lt3A_27 : i32
      %convert_element_type3A_29 = arith.extui %lt3A_28 : i1 to i32
      %cond3A_30 = arith.constant 0 : i32
      %cond3A_31 = arith.cmpi ne, %convert_element_type3A_29, %cond3A_30 : i32
      scf.if %cond3A_31 {
        %mul3A_32 = arith.constant 128 : i32
        %mul3A_33 = arith.muli %add3A_26, %mul3A_32 : i32
        %dma_wait3A = arith.constant 0 : i32
        %dma_wait3A_34 = tpu.memref_slice %arg2[%mul3A_33, %dma_wait3A] : memref<320000x128xf32, #tpu.memory_space<hbm>> -> memref<128x128xf32, #tpu.memory_space<hbm>>
        %dma_wait3A_35 = arith.constant 0 : i32
        %dma_wait3A_36 = tpu.memref_slice %arg2[%mul3A_33, %dma_wait3A_35] : memref<320000x128xf32, #tpu.memory_space<hbm>> -> memref<128x128xf32, #tpu.memory_space<hbm>>
        tpu.wait_dma2 semaphore(%arg13 : memref<!tpu.dma_semaphore, #tpu.memory_space<semaphore_mem>>) src(%dma_wait3A_36 : memref<128x128xf32, #tpu.memory_space<hbm>>) dst(%arg7 : memref<128x128xf32, #tpu.memory_space<vmem>>)
        %dma_wait3A_37 = arith.constant 0 : i32
        %dma_wait3A_38 = arith.constant 0 : i32
        %dma_wait3A_39 = tpu.memref_slice %arg3[%add3A_26, %dma_wait3A_37, %dma_wait3A_38] : memref<2500x8x128xi32, #tpu.memory_space<hbm>> -> memref<1x8x128xi32, #tpu.memory_space<hbm>>
        %dma_wait3A_40 = tpu.memref_squeeze %dma_wait3A_39 : memref<1x8x128xi32, #tpu.memory_space<hbm>> -> memref<8x128xi32, #tpu.memory_space<hbm>>
        %dma_wait3A_41 = arith.constant 0 : i32
        %dma_wait3A_42 = arith.constant 0 : i32
        %dma_wait3A_43 = tpu.memref_slice %arg3[%add3A_26, %dma_wait3A_41, %dma_wait3A_42] : memref<2500x8x128xi32, #tpu.memory_space<hbm>> -> memref<1x8x128xi32, #tpu.memory_space<hbm>>
        %dma_wait3A_44 = tpu.memref_squeeze %dma_wait3A_43 : memref<1x8x128xi32, #tpu.memory_space<hbm>> -> memref<8x128xi32, #tpu.memory_space<hbm>>
        tpu.wait_dma2 semaphore(%arg14 : memref<!tpu.dma_semaphore, #tpu.memory_space<semaphore_mem>>) src(%dma_wait3A_44 : memref<8x128xi32, #tpu.memory_space<hbm>>) dst(%arg9 : memref<8x128xi32, #tpu.memory_space<vmem>>)
        %add3A_45 = arith.constant 32 : i32
        %add3A_46 = arith.addi %add3A_26, %add3A_45 : i32
        %lt3A_47 = arith.constant 2500 : i32
        %lt3A_48 = arith.cmpi slt, %add3A_46, %lt3A_47 : i32
        %convert_element_type3A_49 = arith.extui %lt3A_48 : i1 to i32
        %cond3A_50 = arith.constant 0 : i32
        %cond3A_51 = arith.cmpi ne, %convert_element_type3A_49, %cond3A_50 : i32
        scf.if %cond3A_51 {
          %add3A_52 = arith.constant 32 : i32
          %add3A_53 = arith.addi %add3A_26, %add3A_52 : i32
          %mul3A_54 = arith.constant 128 : i32
          %mul3A_55 = arith.muli %add3A_53, %mul3A_54 : i32
          %dma_start3A = arith.constant 0 : i32
          %dma_start3A_56 = tpu.memref_slice %arg2[%mul3A_55, %dma_start3A] : memref<320000x128xf32, #tpu.memory_space<hbm>> -> memref<128x128xf32, #tpu.memory_space<hbm>>
          %dma_start3A_57 = arith.constant 0 : i32
          %dma_start3A_58 = tpu.memref_slice %arg2[%mul3A_55, %dma_start3A_57] : memref<320000x128xf32, #tpu.memory_space<hbm>> -> memref<128x128xf32, #tpu.memory_space<hbm>>
          tpu.enqueue_dma source(%dma_start3A_58 : memref<128x128xf32, #tpu.memory_space<hbm>>) target(%arg6 : memref<128x128xf32, #tpu.memory_space<vmem>>) target_semaphore(%arg11 : memref<!tpu.dma_semaphore, #tpu.memory_space<semaphore_mem>>)
          %dma_start3A_59 = arith.constant 0 : i32
          %dma_start3A_60 = arith.constant 0 : i32
          %dma_start3A_61 = tpu.memref_slice %arg3[%add3A_53, %dma_start3A_59, %dma_start3A_60] : memref<2500x8x128xi32, #tpu.memory_space<hbm>> -> memref<1x8x128xi32, #tpu.memory_space<hbm>>
          %dma_start3A_62 = tpu.memref_squeeze %dma_start3A_61 : memref<1x8x128xi32, #tpu.memory_space<hbm>> -> memref<8x128xi32, #tpu.memory_space<hbm>>
          %dma_start3A_63 = arith.constant 0 : i32
          %dma_start3A_64 = arith.constant 0 : i32
          %dma_start3A_65 = tpu.memref_slice %arg3[%add3A_53, %dma_start3A_63, %dma_start3A_64] : memref<2500x8x128xi32, #tpu.memory_space<hbm>> -> memref<1x8x128xi32, #tpu.memory_space<hbm>>
          %dma_start3A_66 = tpu.memref_squeeze %dma_start3A_65 : memref<1x8x128xi32, #tpu.memory_space<hbm>> -> memref<8x128xi32, #tpu.memory_space<hbm>>
          tpu.enqueue_dma source(%dma_start3A_66 : memref<8x128xi32, #tpu.memory_space<hbm>>) target(%arg8 : memref<8x128xi32, #tpu.memory_space<vmem>>) target_semaphore(%arg12 : memref<!tpu.dma_semaphore, #tpu.memory_space<semaphore_mem>>)
        } else {
        }
        %run_scoped3A = arith.constant 0 : i32
        "tpu.region"() ({
          %run_scoped3A_52 = tpu.sem_alloc : memref<!tpu.dma_semaphore, #tpu.memory_space<semaphore_mem>>
          %dma_start3A = arith.constant 0 : i32
          %dma_start3A_53 = tpu.memref_slice %arg9[%run_scoped3A, %dma_start3A] : memref<8x128xi32, #tpu.memory_space<vmem>> -> memref<1x128xi32, #tpu.memory_space<vmem>>
          %dma_start3A_54 = tpu.memref_squeeze %dma_start3A_53 : memref<1x128xi32, #tpu.memory_space<vmem>> -> memref<128xi32, #tpu.memory_space<vmem>>
          %dma_start3A_55 = arith.constant 0 : i32
          %dma_start3A_56 = arith.constant 0 : i32
          %dma_start3A_57 = tpu.memref_slice %arg10[%dma_start3A_55, %dma_start3A_56] : memref<10112x128xf32, #tpu.memory_space<vmem_shared>> -> memref<10112x128xf32, #tpu.memory_space<vmem_shared>>
          tpu.enqueue_indirect_dma source(%arg7 : memref<128x128xf32, #tpu.memory_space<vmem>>) target(%dma_start3A_57 : memref<10112x128xf32, #tpu.memory_space<vmem_shared>>) offsets(%dma_start3A_54 : memref<128xi32, #tpu.memory_space<vmem>>) semaphore(%run_scoped3A_52 : memref<!tpu.dma_semaphore, #tpu.memory_space<semaphore_mem>>) {add = true}
          %dma_wait3A_58 = arith.constant 0 : i32
          %dma_wait3A_59 = tpu.memref_slice %arg9[%run_scoped3A, %dma_wait3A_58] : memref<8x128xi32, #tpu.memory_space<vmem>> -> memref<1x128xi32, #tpu.memory_space<vmem>>
          %dma_wait3A_60 = tpu.memref_squeeze %dma_wait3A_59 : memref<1x128xi32, #tpu.memory_space<vmem>> -> memref<128xi32, #tpu.memory_space<vmem>>
          %dma_wait3A_61 = arith.constant 0 : i32
          %dma_wait3A_62 = arith.constant 0 : i32
          %dma_wait3A_63 = tpu.memref_slice %arg10[%dma_wait3A_61, %dma_wait3A_62] : memref<10112x128xf32, #tpu.memory_space<vmem_shared>> -> memref<10112x128xf32, #tpu.memory_space<vmem_shared>>
          tpu.wait_indirect_dma semaphore(%run_scoped3A_52 : memref<!tpu.dma_semaphore, #tpu.memory_space<semaphore_mem>>) src(%arg7 : memref<128x128xf32, #tpu.memory_space<vmem>>) dst(%dma_wait3A_63 : memref<10112x128xf32, #tpu.memory_space<vmem_shared>>)
          tpu.yield
        }) : () -> ()
      } else {
      }
    }
    %scan3A_9 = arith.constant 40 : i32
    %barrier3A_10 = arith.constant 0 : index
    tpu.barrier barrier_id(%barrier3A_10)
    %mul3A_11 = arith.constant 10112 : i32
    %mul3A_12 = arith.muli %arg0, %mul3A_11 : i32
    %add3A_13 = arith.addi %mul3A_12, %mul3A_2 : i32
    "tpu.region"() ({
      %run_scoped3A = tpu.sem_alloc : memref<!tpu.dma_semaphore, #tpu.memory_space<semaphore_mem>>
      %dma_start3A = arith.constant 0 : i32
      %dma_start3A_14 = tpu.memref_slice %arg5[%add3A_13, %dma_start3A] : memref<20224x128xf32, #tpu.memory_space<hbm>> -> memref<632x128xf32, #tpu.memory_space<hbm>>
      %dma_start3A_15 = arith.constant 0 : i32
      %dma_start3A_16 = tpu.memref_slice %arg10[%mul3A_2, %dma_start3A_15] : memref<10112x128xf32, #tpu.memory_space<vmem_shared>> -> memref<632x128xf32, #tpu.memory_space<vmem_shared>>
      tpu.enqueue_dma source(%dma_start3A_16 : memref<632x128xf32, #tpu.memory_space<vmem_shared>>) target(%dma_start3A_14 : memref<632x128xf32, #tpu.memory_space<hbm>>) target_semaphore(%run_scoped3A : memref<!tpu.dma_semaphore, #tpu.memory_space<semaphore_mem>>)
      %dma_wait3A = arith.constant 0 : i32
      %dma_wait3A_17 = tpu.memref_slice %arg5[%add3A_13, %dma_wait3A] : memref<20224x128xf32, #tpu.memory_space<hbm>> -> memref<632x128xf32, #tpu.memory_space<hbm>>
      %dma_wait3A_18 = arith.constant 0 : i32
      %dma_wait3A_19 = tpu.memref_slice %arg10[%mul3A_2, %dma_wait3A_18] : memref<10112x128xf32, #tpu.memory_space<vmem_shared>> -> memref<632x128xf32, #tpu.memory_space<vmem_shared>>
      tpu.wait_dma2 semaphore(%run_scoped3A : memref<!tpu.dma_semaphore, #tpu.memory_space<semaphore_mem>>) src(%dma_wait3A_19 : memref<632x128xf32, #tpu.memory_space<vmem_shared>>) dst(%dma_wait3A_17 : memref<632x128xf32, #tpu.memory_space<hbm>>)
      tpu.yield
    }) : () -> ()
    return
  }
}

module attributes {stable_mosaic.version = 14 : i64} {
  func.func @_prep_body(%arg0: i32, %arg1: memref<320x128xi32, #tpu.memory_space<vmem>>, %arg2: memref<320x128xi32, #tpu.memory_space<vmem>>, %arg3: memref<320x128xf32, #tpu.memory_space<vmem>>, %arg4: memref<320x128xf32, #tpu.memory_space<vmem>>, %arg5: memref<320x128xf32, #tpu.memory_space<vmem>>, %arg6: memref<320x128xi32, #tpu.memory_space<vmem>>, %arg7: memref<320x128xf32, #tpu.memory_space<vmem>>, %arg8: memref<320x128xf32, #tpu.memory_space<vmem>>, %arg9: memref<320x128xf32, #tpu.memory_space<vmem>>, %arg10: memref<320x128xf32, #tpu.memory_space<vmem>>, %arg11: memref<320x128xf32, #tpu.memory_space<vmem>>, %arg12: memref<320x128xf32, #tpu.memory_space<vmem>>, %arg13: memref<320x128xf32, #tpu.memory_space<vmem>>, %arg14: memref<320x128xf32, #tpu.memory_space<vmem>>, %arg15: memref<320x128xf32, #tpu.memory_space<vmem>>, %arg16: memref<320x128xf32, #tpu.memory_space<vmem>>, %arg17: memref<320x128xf32, #tpu.memory_space<vmem>>) attributes {dimension_semantics = [#tpu.dimension_semantics<arbitrary>], iteration_bounds = array<i64: 8>, scalar_prefetch = 0 : i64, scratch_operands = 0 : i64, tpu.core_type = #tpu.core_type<tc>, window_params = [{transform_indices = @transform_0, window_bounds = array<i64: 320, 128>}, {transform_indices = @transform_1, window_bounds = array<i64: 320, 128>}, {transform_indices = @transform_2, window_bounds = array<i64: 320, 128>}, {transform_indices = @transform_3, window_bounds = array<i64: 320, 128>}, {transform_indices = @transform_4, window_bounds = array<i64: 320, 128>}, {transform_indices = @transform_5, window_bounds = array<i64: 320, 128>}, {transform_indices = @transform_6, window_bounds = array<i64: 320, 128>}, {transform_indices = @transform_7, window_bounds = array<i64: 320, 128>}, {transform_indices = @transform_8, window_bounds = array<i64: 320, 128>}, {transform_indices = @transform_9, window_bounds = array<i64: 320, 128>}, {transform_indices = @transform_10, window_bounds = array<i64: 320, 128>}, {transform_indices = @transform_11, window_bounds = array<i64: 320, 128>}, {transform_indices = @transform_12, window_bounds = array<i64: 320, 128>}, {transform_indices = @transform_13, window_bounds = array<i64: 320, 128>}, {transform_indices = @transform_14, window_bounds = array<i64: 320, 128>}, {transform_indices = @transform_15, window_bounds = array<i64: 320, 128>}, {transform_indices = @transform_16, window_bounds = array<i64: 320, 128>}]} {
    %get3A = arith.constant 0 : index
    %get3A_0 = arith.constant 0 : index
    %get3A_1 = vector.load %arg1[%get3A, %get3A_0] : memref<320x128xi32, #tpu.memory_space<vmem>>, vector<320x128xi32>
    %get3A_2 = arith.constant 0 : index
    %get3A_3 = arith.constant 0 : index
    %get3A_4 = vector.load %arg2[%get3A_2, %get3A_3] : memref<320x128xi32, #tpu.memory_space<vmem>>, vector<320x128xi32>
    %get3A_5 = arith.constant 0 : index
    %get3A_6 = arith.constant 0 : index
    %get3A_7 = vector.load %arg3[%get3A_5, %get3A_6] : memref<320x128xf32, #tpu.memory_space<vmem>>, vector<320x128xf32>
    %get3A_8 = arith.constant 0 : index
    %get3A_9 = arith.constant 0 : index
    %get3A_10 = vector.load %arg4[%get3A_8, %get3A_9] : memref<320x128xf32, #tpu.memory_space<vmem>>, vector<320x128xf32>
    %get3A_11 = arith.constant 0 : index
    %get3A_12 = arith.constant 0 : index
    %get3A_13 = vector.load %arg5[%get3A_11, %get3A_12] : memref<320x128xf32, #tpu.memory_space<vmem>>, vector<320x128xf32>
    %broadcast_in_dim3A = arith.constant 1.000000e+00 : f32
    %broadcast_in_dim3A_14 = vector.broadcast %broadcast_in_dim3A : f32 to vector<320x128xf32>
    %broadcast_in_dim3A_15 = arith.constant 0.000000e+00 : f32
    %broadcast_in_dim3A_16 = vector.broadcast %broadcast_in_dim3A_15 : f32 to vector<320x128xf32>
    %eq3A = arith.constant 0 : i32
    %eq3A_17 = vector.broadcast %eq3A : i32 to vector<320x128xi32>
    %eq3A_18 = arith.cmpi eq, %get3A_4, %eq3A_17 : vector<320x128xi32>
    %select_n3A = arith.select %eq3A_18, %broadcast_in_dim3A_14, %broadcast_in_dim3A_16 : vector<320x128xi1>, vector<320x128xf32>
    %eq3A_19 = arith.constant 1 : i32
    %eq3A_20 = vector.broadcast %eq3A_19 : i32 to vector<320x128xi32>
    %eq3A_21 = arith.cmpi eq, %get3A_4, %eq3A_20 : vector<320x128xi32>
    %select_n3A_22 = arith.select %eq3A_21, %broadcast_in_dim3A_14, %broadcast_in_dim3A_16 : vector<320x128xi1>, vector<320x128xf32>
    %eq3A_23 = arith.constant 2 : i32
    %eq3A_24 = vector.broadcast %eq3A_23 : i32 to vector<320x128xi32>
    %eq3A_25 = arith.cmpi eq, %get3A_4, %eq3A_24 : vector<320x128xi32>
    %select_n3A_26 = arith.select %eq3A_25, %broadcast_in_dim3A_14, %broadcast_in_dim3A_16 : vector<320x128xi1>, vector<320x128xf32>
    %eq3A_27 = arith.constant 4 : i32
    %eq3A_28 = vector.broadcast %eq3A_27 : i32 to vector<320x128xi32>
    %eq3A_29 = arith.cmpi eq, %get3A_4, %eq3A_28 : vector<320x128xi32>
    %select_n3A_30 = arith.select %eq3A_29, %broadcast_in_dim3A_14, %broadcast_in_dim3A_16 : vector<320x128xi1>, vector<320x128xf32>
    %iota3A = tpu.iota {dimensions = array<i32: 1>} : vector<320x128xi32>
    %eq3A_31 = arith.constant 1 : i32
    %eq3A_32 = vector.broadcast %eq3A_31 : i32 to vector<320x128xi32>
    %eq3A_33 = arith.cmpi eq, %get3A_4, %eq3A_32 : vector<320x128xi32>
    %jit3A = arith.constant 112 : i32
    %eq3A_34 = arith.constant 0 : i32
    %eq3A_35 = arith.cmpi eq, %jit3A, %eq3A_34 : i32
    %jit3A_36 = arith.constant 1 : i32
    %select_n3A_37 = arith.select %eq3A_35, %jit3A_36, %jit3A : i32
    %rem3A = vector.broadcast %select_n3A_37 : i32 to vector<320x128xi32>
    %rem3A_38 = arith.remsi %iota3A, %rem3A : vector<320x128xi32>
    %ne3A = arith.constant 0 : i32
    %ne3A_39 = vector.broadcast %ne3A : i32 to vector<320x128xi32>
    %ne3A_40 = arith.cmpi ne, %rem3A_38, %ne3A_39 : vector<320x128xi32>
    %lt3A = arith.constant 0 : i32
    %lt3A_41 = vector.broadcast %lt3A : i32 to vector<320x128xi32>
    %lt3A_42 = arith.cmpi slt, %rem3A_38, %lt3A_41 : vector<320x128xi32>
    %lt3A_43 = arith.constant 0 : i32
    %lt3A_44 = arith.cmpi slt, %select_n3A_37, %lt3A_43 : i32
    %ne3A_45 = vector.broadcast %lt3A_44 : i1 to vector<320x128xi1>
    %ne3A_46 = vector.broadcast %ne3A_45 : vector<320x128xi1> to vector<320x128xi1>
    %ne3A_47 = arith.xori %lt3A_42, %ne3A_46 : vector<320x128xi1>
    %and3A = arith.andi %ne3A_47, %ne3A_40 : vector<320x128xi1>
    %add3A = vector.broadcast %select_n3A_37 : i32 to vector<320x128xi32>
    %add3A_48 = arith.addi %rem3A_38, %add3A : vector<320x128xi32>
    %select_n3A_49 = arith.select %and3A, %add3A_48, %rem3A_38 : vector<320x128xi1>, vector<320x128xi32>
    %add3A_50 = arith.constant 10000 : i32
    %add3A_51 = vector.broadcast %add3A_50 : i32 to vector<320x128xi32>
    %add3A_52 = arith.addi %add3A_51, %select_n3A_49 : vector<320x128xi32>
    %select_n3A_53 = arith.select %eq3A_33, %get3A_1, %add3A_52 : vector<320x128xi1>, vector<320x128xi32>
    %swap3A = arith.constant 0 : index
    %swap3A_54 = arith.constant 0 : index
    %swap3A_55 = vector.load %arg6[%swap3A, %swap3A_54] : memref<320x128xi32, #tpu.memory_space<vmem>>, vector<320x128xi32>
    tpu.vector_store %arg6[%swap3A, %swap3A_54], %select_n3A_53 {strides = array<i32>} : memref<320x128xi32, #tpu.memory_space<vmem>>, vector<320x128xi32>,
    %mul3A = arith.mulf %select_n3A_22, %get3A_7 : vector<320x128xf32>
    %mul3A_56 = arith.mulf %select_n3A_22, %get3A_10 : vector<320x128xf32>
    %mul3A_57 = arith.mulf %select_n3A_22, %get3A_13 : vector<320x128xf32>
    %mul3A_58 = arith.mulf %select_n3A_30, %get3A_7 : vector<320x128xf32>
    %mul3A_59 = arith.mulf %select_n3A_30, %get3A_10 : vector<320x128xf32>
    %mul3A_60 = arith.mulf %select_n3A_30, %get3A_13 : vector<320x128xf32>
    %swap3A_61 = arith.constant 0 : index
    %swap3A_62 = arith.constant 0 : index
    %swap3A_63 = vector.load %arg7[%swap3A_61, %swap3A_62] : memref<320x128xf32, #tpu.memory_space<vmem>>, vector<320x128xf32>
    tpu.vector_store %arg7[%swap3A_61, %swap3A_62], %broadcast_in_dim3A_14 {strides = array<i32>} : memref<320x128xf32, #tpu.memory_space<vmem>>, vector<320x128xf32>,
    %swap3A_64 = arith.constant 0 : index
    %swap3A_65 = arith.constant 0 : index
    %swap3A_66 = vector.load %arg8[%swap3A_64, %swap3A_65] : memref<320x128xf32, #tpu.memory_space<vmem>>, vector<320x128xf32>
    tpu.vector_store %arg8[%swap3A_64, %swap3A_65], %select_n3A {strides = array<i32>} : memref<320x128xf32, #tpu.memory_space<vmem>>, vector<320x128xf32>,
    %swap3A_67 = arith.constant 0 : index
    %swap3A_68 = arith.constant 0 : index
    %swap3A_69 = vector.load %arg9[%swap3A_67, %swap3A_68] : memref<320x128xf32, #tpu.memory_space<vmem>>, vector<320x128xf32>
    tpu.vector_store %arg9[%swap3A_67, %swap3A_68], %select_n3A_22 {strides = array<i32>} : memref<320x128xf32, #tpu.memory_space<vmem>>, vector<320x128xf32>,
    %swap3A_70 = arith.constant 0 : index
    %swap3A_71 = arith.constant 0 : index
    %swap3A_72 = vector.load %arg10[%swap3A_70, %swap3A_71] : memref<320x128xf32, #tpu.memory_space<vmem>>, vector<320x128xf32>
    tpu.vector_store %arg10[%swap3A_70, %swap3A_71], %select_n3A_26 {strides = array<i32>} : memref<320x128xf32, #tpu.memory_space<vmem>>, vector<320x128xf32>,
    %swap3A_73 = arith.constant 0 : index
    %swap3A_74 = arith.constant 0 : index
    %swap3A_75 = vector.load %arg11[%swap3A_73, %swap3A_74] : memref<320x128xf32, #tpu.memory_space<vmem>>, vector<320x128xf32>
    tpu.vector_store %arg11[%swap3A_73, %swap3A_74], %select_n3A_30 {strides = array<i32>} : memref<320x128xf32, #tpu.memory_space<vmem>>, vector<320x128xf32>,
    %swap3A_76 = arith.constant 0 : index
    %swap3A_77 = arith.constant 0 : index
    %swap3A_78 = vector.load %arg12[%swap3A_76, %swap3A_77] : memref<320x128xf32, #tpu.memory_space<vmem>>, vector<320x128xf32>
    tpu.vector_store %arg12[%swap3A_76, %swap3A_77], %mul3A {strides = array<i32>} : memref<320x128xf32, #tpu.memory_space<vmem>>, vector<320x128xf32>,
    %swap3A_79 = arith.constant 0 : index
    %swap3A_80 = arith.constant 0 : index
    %swap3A_81 = vector.load %arg13[%swap3A_79, %swap3A_80] : memref<320x128xf32, #tpu.memory_space<vmem>>, vector<320x128xf32>
    tpu.vector_store %arg13[%swap3A_79, %swap3A_80], %mul3A_56 {strides = array<i32>} : memref<320x128xf32, #tpu.memory_space<vmem>>, vector<320x128xf32>,
    %swap3A_82 = arith.constant 0 : index
    %swap3A_83 = arith.constant 0 : index
    %swap3A_84 = vector.load %arg14[%swap3A_82, %swap3A_83] : memref<320x128xf32, #tpu.memory_space<vmem>>, vector<320x128xf32>
    tpu.vector_store %arg14[%swap3A_82, %swap3A_83], %mul3A_57 {strides = array<i32>} : memref<320x128xf32, #tpu.memory_space<vmem>>, vector<320x128xf32>,
    %swap3A_85 = arith.constant 0 : index
    %swap3A_86 = arith.constant 0 : index
    %swap3A_87 = vector.load %arg15[%swap3A_85, %swap3A_86] : memref<320x128xf32, #tpu.memory_space<vmem>>, vector<320x128xf32>
    tpu.vector_store %arg15[%swap3A_85, %swap3A_86], %mul3A_58 {strides = array<i32>} : memref<320x128xf32, #tpu.memory_space<vmem>>, vector<320x128xf32>,
    %swap3A_88 = arith.constant 0 : index
    %swap3A_89 = arith.constant 0 : index
    %swap3A_90 = vector.load %arg16[%swap3A_88, %swap3A_89] : memref<320x128xf32, #tpu.memory_space<vmem>>, vector<320x128xf32>
    tpu.vector_store %arg16[%swap3A_88, %swap3A_89], %mul3A_59 {strides = array<i32>} : memref<320x128xf32, #tpu.memory_space<vmem>>, vector<320x128xf32>,
    %swap3A_91 = arith.constant 0 : index
    %swap3A_92 = arith.constant 0 : index
    %swap3A_93 = vector.load %arg17[%swap3A_91, %swap3A_92] : memref<320x128xf32, #tpu.memory_space<vmem>>, vector<320x128xf32>
    tpu.vector_store %arg17[%swap3A_91, %swap3A_92], %mul3A_60 {strides = array<i32>} : memref<320x128xf32, #tpu.memory_space<vmem>>, vector<320x128xf32>,
    return
  }
  func.func @transform_0(%arg0: i32) -> (i32, i32) {
    %c0_i32 = arith.constant 0 : i32
    %c0_i32_0 = arith.constant 0 : i32
    return %arg0, %c0_i32 : i32, i32
  }
  func.func @transform_1(%arg0: i32) -> (i32, i32) {
    %c0_i32 = arith.constant 0 : i32
    %c0_i32_0 = arith.constant 0 : i32
    return %arg0, %c0_i32 : i32, i32
  }
  func.func @transform_2(%arg0: i32) -> (i32, i32) {
    %c0_i32 = arith.constant 0 : i32
    %c0_i32_0 = arith.constant 0 : i32
    return %arg0, %c0_i32 : i32, i32
  }
  func.func @transform_3(%arg0: i32) -> (i32, i32) {
    %c0_i32 = arith.constant 0 : i32
    %c0_i32_0 = arith.constant 0 : i32
    return %arg0, %c0_i32 : i32, i32
  }
  func.func @transform_4(%arg0: i32) -> (i32, i32) {
    %c0_i32 = arith.constant 0 : i32
    %c0_i32_0 = arith.constant 0 : i32
    return %arg0, %c0_i32 : i32, i32
  }
  func.func @transform_5(%arg0: i32) -> (i32, i32) {
    %c0_i32 = arith.constant 0 : i32
    %c0_i32_0 = arith.constant 0 : i32
    return %arg0, %c0_i32 : i32, i32
  }
  func.func @transform_6(%arg0: i32) -> (i32, i32) {
    %c0_i32 = arith.constant 0 : i32
    %c0_i32_0 = arith.constant 0 : i32
    return %arg0, %c0_i32 : i32, i32
  }
  func.func @transform_7(%arg0: i32) -> (i32, i32) {
    %c0_i32 = arith.constant 0 : i32
    %c0_i32_0 = arith.constant 0 : i32
    return %arg0, %c0_i32 : i32, i32
  }
  func.func @transform_8(%arg0: i32) -> (i32, i32) {
    %c0_i32 = arith.constant 0 : i32
    %c0_i32_0 = arith.constant 0 : i32
    return %arg0, %c0_i32 : i32, i32
  }
  func.func @transform_9(%arg0: i32) -> (i32, i32) {
    %c0_i32 = arith.constant 0 : i32
    %c0_i32_0 = arith.constant 0 : i32
    return %arg0, %c0_i32 : i32, i32
  }
  func.func @transform_10(%arg0: i32) -> (i32, i32) {
    %c0_i32 = arith.constant 0 : i32
    %c0_i32_0 = arith.constant 0 : i32
    return %arg0, %c0_i32 : i32, i32
  }
  func.func @transform_11(%arg0: i32) -> (i32, i32) {
    %c0_i32 = arith.constant 0 : i32
    %c0_i32_0 = arith.constant 0 : i32
    return %arg0, %c0_i32 : i32, i32
  }
  func.func @transform_12(%arg0: i32) -> (i32, i32) {
    %c0_i32 = arith.constant 0 : i32
    %c0_i32_0 = arith.constant 0 : i32
    return %arg0, %c0_i32 : i32, i32
  }
  func.func @transform_13(%arg0: i32) -> (i32, i32) {
    %c0_i32 = arith.constant 0 : i32
    %c0_i32_0 = arith.constant 0 : i32
    return %arg0, %c0_i32 : i32, i32
  }
  func.func @transform_14(%arg0: i32) -> (i32, i32) {
    %c0_i32 = arith.constant 0 : i32
    %c0_i32_0 = arith.constant 0 : i32
    return %arg0, %c0_i32 : i32, i32
  }
  func.func @transform_15(%arg0: i32) -> (i32, i32) {
    %c0_i32 = arith.constant 0 : i32
    %c0_i32_0 = arith.constant 0 : i32
    return %arg0, %c0_i32 : i32, i32
  }
  func.func @transform_16(%arg0: i32) -> (i32, i32) {
    %c0_i32 = arith.constant 0 : i32
    %c0_i32_0 = arith.constant 0 : i32
    return %arg0, %c0_i32 : i32, i32
  }
}

module attributes {stable_mosaic.version = 14 : i64} {
  func.func @_finish_body(%arg0: i32, %arg1: memref<1000x128xf32, #tpu.memory_space<vmem>>, %arg2: memref<1000x128xf32, #tpu.memory_space<vmem>>, %arg3: memref<1000x128xf32, #tpu.memory_space<vmem>>, %arg4: memref<1000x128xf32, #tpu.memory_space<vmem>>, %arg5: memref<1000x128xf32, #tpu.memory_space<vmem>>, %arg6: memref<1000x16xf32, #tpu.memory_space<vmem>>) attributes {dimension_semantics = [#tpu.dimension_semantics<arbitrary>], iteration_bounds = array<i64: 10>, scalar_prefetch = 0 : i64, scratch_operands = 0 : i64, tpu.core_type = #tpu.core_type<tc>, window_params = [{transform_indices = @transform_0, window_bounds = array<i64: 1000, 128>}, {transform_indices = @transform_1, window_bounds = array<i64: 1000, 128>}, {transform_indices = @transform_2, window_bounds = array<i64: 1000, 128>}, {transform_indices = @transform_3, window_bounds = array<i64: 1000, 128>}, {transform_indices = @transform_4, window_bounds = array<i64: 1000, 128>}, {transform_indices = @transform_5, window_bounds = array<i64: 1000, 16>}]} {
    %get3A = arith.constant 0 : index
    %get3A_0 = arith.constant 0 : index
    %get3A_1 = vector.load %arg3[%get3A, %get3A_0] : memref<1000x128xf32, #tpu.memory_space<vmem>>, vector<1000x128xf32>
    %get3A_2 = arith.constant 0 : index
    %get3A_3 = arith.constant 0 : index
    %get3A_4 = vector.load %arg4[%get3A_2, %get3A_3] : memref<1000x128xf32, #tpu.memory_space<vmem>>, vector<1000x128xf32>
    %add3A = arith.addf %get3A_1, %get3A_4 : vector<1000x128xf32>
    %slice3A = vector.extract_strided_slice %add3A {offsets = [0, 0], sizes = [1000, 1], strides = [1, 1]} : vector<1000x128xf32> to vector<1000x1xf32>
    %slice3A_5 = vector.extract_strided_slice %add3A {offsets = [0, 1], sizes = [1000, 1], strides = [1, 1]} : vector<1000x128xf32> to vector<1000x1xf32>
    %slice3A_6 = vector.extract_strided_slice %add3A {offsets = [0, 2], sizes = [1000, 1], strides = [1, 1]} : vector<1000x128xf32> to vector<1000x1xf32>
    %slice3A_7 = vector.extract_strided_slice %add3A {offsets = [0, 3], sizes = [1000, 1], strides = [1, 1]} : vector<1000x128xf32> to vector<1000x1xf32>
    %slice3A_8 = vector.extract_strided_slice %add3A {offsets = [0, 4], sizes = [1000, 1], strides = [1, 1]} : vector<1000x128xf32> to vector<1000x1xf32>
    %max3A = arith.constant 1.000000e+00 : f32
    %max3A_9 = vector.broadcast %max3A : f32 to vector<1000x1xf32>
    %max3A_10 = arith.maximumf %slice3A_6, %max3A_9 : vector<1000x1xf32>
    %get3A_11 = arith.constant 0 : index
    %get3A_12 = arith.constant 0 : index
    %get3A_13 = vector.load %arg1[%get3A_11, %get3A_12] : memref<1000x128xf32, #tpu.memory_space<vmem>>, vector<1000x128xf32>
    %get3A_14 = arith.constant 0 : index
    %get3A_15 = arith.constant 0 : index
    %get3A_16 = vector.load %arg2[%get3A_14, %get3A_15] : memref<1000x128xf32, #tpu.memory_space<vmem>>, vector<1000x128xf32>
    %add3A_17 = arith.addf %get3A_13, %get3A_16 : vector<1000x128xf32>
    %div3A = vector.broadcast %max3A_10 : vector<1000x1xf32> to vector<1000x128xf32>
    %div3A_18 = arith.divf %add3A_17, %div3A : vector<1000x128xf32>
    %swap3A = arith.constant 0 : index
    %swap3A_19 = arith.constant 0 : index
    %swap3A_20 = vector.load %arg5[%swap3A, %swap3A_19] : memref<1000x128xf32, #tpu.memory_space<vmem>>, vector<1000x128xf32>
    tpu.vector_store %arg5[%swap3A, %swap3A_19], %div3A_18 {strides = array<i32>} : memref<1000x128xf32, #tpu.memory_space<vmem>>, vector<1000x128xf32>,
    %slice3A_21 = vector.extract_strided_slice %add3A {offsets = [0, 5], sizes = [1000, 1], strides = [1, 1]} : vector<1000x128xf32> to vector<1000x1xf32>
    %div3A_22 = arith.divf %slice3A_21, %max3A_10 : vector<1000x1xf32>
    %slice3A_23 = vector.extract_strided_slice %add3A {offsets = [0, 6], sizes = [1000, 1], strides = [1, 1]} : vector<1000x128xf32> to vector<1000x1xf32>
    %div3A_24 = arith.divf %slice3A_23, %max3A_10 : vector<1000x1xf32>
    %slice3A_25 = vector.extract_strided_slice %add3A {offsets = [0, 7], sizes = [1000, 1], strides = [1, 1]} : vector<1000x128xf32> to vector<1000x1xf32>
    %div3A_26 = arith.divf %slice3A_25, %max3A_10 : vector<1000x1xf32>
    %max3A_27 = arith.constant 1.000000e+00 : f32
    %max3A_28 = vector.broadcast %max3A_27 : f32 to vector<1000x1xf32>
    %max3A_29 = arith.maximumf %slice3A_8, %max3A_28 : vector<1000x1xf32>
    %slice3A_30 = vector.extract_strided_slice %add3A {offsets = [0, 8], sizes = [1000, 1], strides = [1, 1]} : vector<1000x128xf32> to vector<1000x1xf32>
    %div3A_31 = arith.divf %slice3A_30, %max3A_29 : vector<1000x1xf32>
    %slice3A_32 = vector.extract_strided_slice %add3A {offsets = [0, 9], sizes = [1000, 1], strides = [1, 1]} : vector<1000x128xf32> to vector<1000x1xf32>
    %div3A_33 = arith.divf %slice3A_32, %max3A_29 : vector<1000x1xf32>
    %slice3A_34 = vector.extract_strided_slice %add3A {offsets = [0, 10], sizes = [1000, 1], strides = [1, 1]} : vector<1000x128xf32> to vector<1000x1xf32>
    %div3A_35 = arith.divf %slice3A_34, %max3A_29 : vector<1000x1xf32>
    %abs3A = math.absf %div3A_31 : vector<1000x1xf32>
    %abs3A_36 = math.absf %div3A_33 : vector<1000x1xf32>
    %add3A_37 = arith.addf %abs3A, %abs3A_36 : vector<1000x1xf32>
    %abs3A_38 = math.absf %div3A_35 : vector<1000x1xf32>
    %add3A_39 = arith.addf %add3A_37, %abs3A_38 : vector<1000x1xf32>
    %lt3A = arith.constant 9.99999997E-7 : f32
    %lt3A_40 = vector.broadcast %lt3A : f32 to vector<1000x1xf32>
    %lt3A_41 = arith.cmpf olt, %add3A_39, %lt3A_40 : vector<1000x1xf32>
    %select_n3A = arith.select %lt3A_41, %div3A_22, %div3A_31 : vector<1000x1xi1>, vector<1000x1xf32>
    %select_n3A_42 = arith.select %lt3A_41, %div3A_24, %div3A_33 : vector<1000x1xi1>, vector<1000x1xf32>
    %select_n3A_43 = arith.select %lt3A_41, %div3A_26, %div3A_35 : vector<1000x1xi1>, vector<1000x1xf32>
    %sub3A = arith.subf %select_n3A, %div3A_22 : vector<1000x1xf32>
    %sub3A_44 = arith.subf %select_n3A_42, %div3A_24 : vector<1000x1xf32>
    %sub3A_45 = arith.subf %select_n3A_43, %div3A_26 : vector<1000x1xf32>
    %mul3A = arith.mulf %sub3A, %sub3A : vector<1000x1xf32>
    %mul3A_46 = arith.mulf %sub3A_44, %sub3A_44 : vector<1000x1xf32>
    %add3A_47 = arith.addf %mul3A, %mul3A_46 : vector<1000x1xf32>
    %mul3A_48 = arith.mulf %sub3A_45, %sub3A_45 : vector<1000x1xf32>
    %add3A_49 = arith.addf %add3A_47, %mul3A_48 : vector<1000x1xf32>
    %sqrt3A = math.sqrt %add3A_49 : vector<1000x1xf32>
    %max3A_50 = arith.constant 9.99999997E-7 : f32
    %max3A_51 = vector.broadcast %max3A_50 : f32 to vector<1000x1xf32>
    %max3A_52 = arith.maximumf %sqrt3A, %max3A_51 : vector<1000x1xf32>
    %div3A_53 = arith.divf %sub3A, %max3A_52 : vector<1000x1xf32>
    %div3A_54 = arith.divf %sub3A_44, %max3A_52 : vector<1000x1xf32>
    %div3A_55 = arith.divf %sub3A_45, %max3A_52 : vector<1000x1xf32>
    %mul3A_56 = arith.mulf %div3A_53, %div3A_53 : vector<1000x1xf32>
    %mul3A_57 = arith.mulf %div3A_54, %div3A_54 : vector<1000x1xf32>
    %add3A_58 = arith.addf %mul3A_56, %mul3A_57 : vector<1000x1xf32>
    %sqrt3A_59 = math.sqrt %add3A_58 : vector<1000x1xf32>
    %lt3A_60 = arith.constant 9.99999997E-7 : f32
    %lt3A_61 = vector.broadcast %lt3A_60 : f32 to vector<1000x1xf32>
    %lt3A_62 = arith.cmpf olt, %sqrt3A_59, %lt3A_61 : vector<1000x1xf32>
    %neg3A = arith.constant 0.000000e+00 : f32
    %neg3A_63 = vector.broadcast %neg3A : f32 to vector<1000x1xf32>
    %neg3A_64 = arith.subf %neg3A_63, %div3A_55 : vector<1000x1xf32>
    %select_n3A_65 = arith.select %lt3A_62, %neg3A_64, %div3A_54 : vector<1000x1xi1>, vector<1000x1xf32>
    %neg3A_66 = arith.constant 0.000000e+00 : f32
    %neg3A_67 = vector.broadcast %neg3A_66 : f32 to vector<1000x1xf32>
    %neg3A_68 = arith.subf %neg3A_67, %div3A_53 : vector<1000x1xf32>
    %jit3A = arith.constant 0.000000e+00 : f32
    %broadcast_in_dim3A = vector.broadcast %jit3A : f32 to vector<1000x1xf32>
    %select_n3A_69 = arith.select %lt3A_62, %broadcast_in_dim3A, %neg3A_68 : vector<1000x1xi1>, vector<1000x1xf32>
    %jit3A_70 = arith.constant 0.000000e+00 : f32
    %broadcast_in_dim3A_71 = vector.broadcast %jit3A_70 : f32 to vector<1000x1xf32>
    %select_n3A_72 = arith.select %lt3A_62, %div3A_53, %broadcast_in_dim3A_71 : vector<1000x1xi1>, vector<1000x1xf32>
    %mul3A_73 = arith.mulf %select_n3A_65, %select_n3A_65 : vector<1000x1xf32>
    %mul3A_74 = arith.mulf %select_n3A_69, %select_n3A_69 : vector<1000x1xf32>
    %add3A_75 = arith.addf %mul3A_73, %mul3A_74 : vector<1000x1xf32>
    %mul3A_76 = arith.mulf %select_n3A_72, %select_n3A_72 : vector<1000x1xf32>
    %add3A_77 = arith.addf %add3A_75, %mul3A_76 : vector<1000x1xf32>
    %sqrt3A_78 = math.sqrt %add3A_77 : vector<1000x1xf32>
    %max3A_79 = arith.constant 9.99999997E-7 : f32
    %max3A_80 = vector.broadcast %max3A_79 : f32 to vector<1000x1xf32>
    %max3A_81 = arith.maximumf %sqrt3A_78, %max3A_80 : vector<1000x1xf32>
    %div3A_82 = arith.divf %select_n3A_65, %max3A_81 : vector<1000x1xf32>
    %div3A_83 = arith.divf %select_n3A_69, %max3A_81 : vector<1000x1xf32>
    %div3A_84 = arith.divf %select_n3A_72, %max3A_81 : vector<1000x1xf32>
    %mul3A_85 = arith.mulf %div3A_54, %div3A_84 : vector<1000x1xf32>
    %mul3A_86 = arith.mulf %div3A_55, %div3A_83 : vector<1000x1xf32>
    %sub3A_87 = arith.subf %mul3A_85, %mul3A_86 : vector<1000x1xf32>
    %mul3A_88 = arith.mulf %div3A_55, %div3A_82 : vector<1000x1xf32>
    %mul3A_89 = arith.mulf %div3A_53, %div3A_84 : vector<1000x1xf32>
    %sub3A_90 = arith.subf %mul3A_88, %mul3A_89 : vector<1000x1xf32>
    %mul3A_91 = arith.mulf %div3A_53, %div3A_83 : vector<1000x1xf32>
    %mul3A_92 = arith.mulf %div3A_54, %div3A_82 : vector<1000x1xf32>
    %sub3A_93 = arith.subf %mul3A_91, %mul3A_92 : vector<1000x1xf32>
    %iota3A = tpu.iota {dimensions = array<i32: 0>} : vector<1000x1xi32>
    %mul3A_94 = arith.constant 1000 : i32
    %mul3A_95 = arith.muli %arg0, %mul3A_94 : i32
    %add3A_96 = vector.broadcast %mul3A_95 : i32 to vector<1000x1xi32>
    %add3A_97 = arith.addi %iota3A, %add3A_96 : vector<1000x1xi32>
    %gt3A = arith.constant 9.99999997E-7 : f32
    %gt3A_98 = vector.broadcast %gt3A : f32 to vector<1000x1xf32>
    %gt3A_99 = arith.cmpf ogt, %sqrt3A, %gt3A_98 : vector<1000x1xf32>
    %gt3A_100 = arith.constant 9.99999997E-7 : f32
    %gt3A_101 = vector.broadcast %gt3A_100 : f32 to vector<1000x1xf32>
    %gt3A_102 = arith.cmpf ogt, %sqrt3A_78, %gt3A_101 : vector<1000x1xf32>
    %and3A = arith.andi %gt3A_99, %gt3A_102 : vector<1000x1xi1>
    %lt3A_103 = arith.constant 9999 : i32
    %lt3A_104 = vector.broadcast %lt3A_103 : i32 to vector<1000x1xi32>
    %lt3A_105 = arith.cmpi slt, %add3A_97, %lt3A_104 : vector<1000x1xi32>
    %and3A_106 = arith.andi %and3A, %lt3A_105 : vector<1000x1xi1>
    %ge3A = arith.constant 3.000000e+00 : f32
    %ge3A_107 = vector.broadcast %ge3A : f32 to vector<1000x1xf32>
    %ge3A_108 = arith.cmpf oge, %slice3A, %ge3A_107 : vector<1000x1xf32>
    %gt3A_109 = arith.constant 0.000000e+00 : f32
    %gt3A_110 = vector.broadcast %gt3A_109 : f32 to vector<1000x1xf32>
    %gt3A_111 = arith.cmpf ogt, %slice3A_5, %gt3A_110 : vector<1000x1xf32>
    %and3A_112 = arith.andi %ge3A_108, %gt3A_111 : vector<1000x1xi1>
    %gt3A_113 = arith.constant 0.000000e+00 : f32
    %gt3A_114 = vector.broadcast %gt3A_113 : f32 to vector<1000x1xf32>
    %gt3A_115 = arith.cmpf ogt, %slice3A_6, %gt3A_114 : vector<1000x1xf32>
    %and3A_116 = arith.andi %and3A_112, %gt3A_115 : vector<1000x1xi1>
    %gt3A_117 = arith.constant 0.000000e+00 : f32
    %gt3A_118 = vector.broadcast %gt3A_117 : f32 to vector<1000x1xf32>
    %gt3A_119 = arith.cmpf ogt, %slice3A_7, %gt3A_118 : vector<1000x1xf32>
    %and3A_120 = arith.andi %and3A_116, %gt3A_119 : vector<1000x1xi1>
    %jit3A_121 = arith.constant 1.000000e+00 : f32
    %jit3A_122 = arith.constant 0.000000e+00 : f32
    %broadcast_in_dim3A_123 = vector.broadcast %jit3A_121 : f32 to vector<1000x1xf32>
    %broadcast_in_dim3A_124 = vector.broadcast %jit3A_122 : f32 to vector<1000x1xf32>
    %select_n3A_125 = arith.select %and3A_120, %broadcast_in_dim3A_123, %broadcast_in_dim3A_124 : vector<1000x1xi1>, vector<1000x1xf32>
    %swap3A_126 = arith.constant 0 : index
    %swap3A_127 = arith.constant 0 : index
    %swap3A_128 = vector.load %arg6[%swap3A_126, %swap3A_127] : memref<1000x16xf32, #tpu.memory_space<vmem>>, vector<1000x1xf32>
    tpu.vector_store %arg6[%swap3A_126, %swap3A_127], %div3A_22 {strides = array<i32>} : memref<1000x16xf32, #tpu.memory_space<vmem>>, vector<1000x1xf32>,
    %swap3A_129 = arith.constant 0 : index
    %swap3A_130 = arith.constant 1 : index
    %swap3A_131 = vector.load %arg6[%swap3A_129, %swap3A_130] : memref<1000x16xf32, #tpu.memory_space<vmem>>, vector<1000x1xf32>
    tpu.vector_store %arg6[%swap3A_129, %swap3A_130], %div3A_24 {strides = array<i32>} : memref<1000x16xf32, #tpu.memory_space<vmem>>, vector<1000x1xf32>,
    %swap3A_132 = arith.constant 0 : index
    %swap3A_133 = arith.constant 2 : index
    %swap3A_134 = vector.load %arg6[%swap3A_132, %swap3A_133] : memref<1000x16xf32, #tpu.memory_space<vmem>>, vector<1000x1xf32>
    tpu.vector_store %arg6[%swap3A_132, %swap3A_133], %div3A_26 {strides = array<i32>} : memref<1000x16xf32, #tpu.memory_space<vmem>>, vector<1000x1xf32>,
    %swap3A_135 = arith.constant 0 : index
    %swap3A_136 = arith.constant 3 : index
    %swap3A_137 = vector.load %arg6[%swap3A_135, %swap3A_136] : memref<1000x16xf32, #tpu.memory_space<vmem>>, vector<1000x1xf32>
    tpu.vector_store %arg6[%swap3A_135, %swap3A_136], %select_n3A {strides = array<i32>} : memref<1000x16xf32, #tpu.memory_space<vmem>>, vector<1000x1xf32>,
    %swap3A_138 = arith.constant 0 : index
    %swap3A_139 = arith.constant 4 : index
    %swap3A_140 = vector.load %arg6[%swap3A_138, %swap3A_139] : memref<1000x16xf32, #tpu.memory_space<vmem>>, vector<1000x1xf32>
    tpu.vector_store %arg6[%swap3A_138, %swap3A_139], %select_n3A_42 {strides = array<i32>} : memref<1000x16xf32, #tpu.memory_space<vmem>>, vector<1000x1xf32>,
    %swap3A_141 = arith.constant 0 : index
    %swap3A_142 = arith.constant 5 : index
    %swap3A_143 = vector.load %arg6[%swap3A_141, %swap3A_142] : memref<1000x16xf32, #tpu.memory_space<vmem>>, vector<1000x1xf32>
    tpu.vector_store %arg6[%swap3A_141, %swap3A_142], %select_n3A_43 {strides = array<i32>} : memref<1000x16xf32, #tpu.memory_space<vmem>>, vector<1000x1xf32>,
    %jit3A_144 = arith.constant 1.000000e+00 : f32
    %broadcast_in_dim3A_145 = vector.broadcast %jit3A_144 : f32 to vector<1000x1xf32>
    %select_n3A_146 = arith.select %and3A_106, %div3A_53, %broadcast_in_dim3A_145 : vector<1000x1xi1>, vector<1000x1xf32>
    %swap3A_147 = arith.constant 0 : index
    %swap3A_148 = arith.constant 6 : index
    %swap3A_149 = vector.load %arg6[%swap3A_147, %swap3A_148] : memref<1000x16xf32, #tpu.memory_space<vmem>>, vector<1000x1xf32>
    tpu.vector_store %arg6[%swap3A_147, %swap3A_148], %select_n3A_146 {strides = array<i32>} : memref<1000x16xf32, #tpu.memory_space<vmem>>, vector<1000x1xf32>,
    %jit3A_150 = arith.constant 0.000000e+00 : f32
    %broadcast_in_dim3A_151 = vector.broadcast %jit3A_150 : f32 to vector<1000x1xf32>
    %select_n3A_152 = arith.select %and3A_106, %div3A_82, %broadcast_in_dim3A_151 : vector<1000x1xi1>, vector<1000x1xf32>
    %swap3A_153 = arith.constant 0 : index
    %swap3A_154 = arith.constant 7 : index
    %swap3A_155 = vector.load %arg6[%swap3A_153, %swap3A_154] : memref<1000x16xf32, #tpu.memory_space<vmem>>, vector<1000x1xf32>
    tpu.vector_store %arg6[%swap3A_153, %swap3A_154], %select_n3A_152 {strides = array<i32>} : memref<1000x16xf32, #tpu.memory_space<vmem>>, vector<1000x1xf32>,
    %jit3A_156 = arith.constant 0.000000e+00 : f32
    %broadcast_in_dim3A_157 = vector.broadcast %jit3A_156 : f32 to vector<1000x1xf32>
    %select_n3A_158 = arith.select %and3A_106, %sub3A_87, %broadcast_in_dim3A_157 : vector<1000x1xi1>, vector<1000x1xf32>
    %swap3A_159 = arith.constant 0 : index
    %swap3A_160 = arith.constant 8 : index
    %swap3A_161 = vector.load %arg6[%swap3A_159, %swap3A_160] : memref<1000x16xf32, #tpu.memory_space<vmem>>, vector<1000x1xf32>
    tpu.vector_store %arg6[%swap3A_159, %swap3A_160], %select_n3A_158 {strides = array<i32>} : memref<1000x16xf32, #tpu.memory_space<vmem>>, vector<1000x1xf32>,
    %jit3A_162 = arith.constant 0.000000e+00 : f32
    %broadcast_in_dim3A_163 = vector.broadcast %jit3A_162 : f32 to vector<1000x1xf32>
    %select_n3A_164 = arith.select %and3A_106, %div3A_54, %broadcast_in_dim3A_163 : vector<1000x1xi1>, vector<1000x1xf32>
    %swap3A_165 = arith.constant 0 : index
    %swap3A_166 = arith.constant 9 : index
    %swap3A_167 = vector.load %arg6[%swap3A_165, %swap3A_166] : memref<1000x16xf32, #tpu.memory_space<vmem>>, vector<1000x1xf32>
    tpu.vector_store %arg6[%swap3A_165, %swap3A_166], %select_n3A_164 {strides = array<i32>} : memref<1000x16xf32, #tpu.memory_space<vmem>>, vector<1000x1xf32>,
    %jit3A_168 = arith.constant 1.000000e+00 : f32
    %broadcast_in_dim3A_169 = vector.broadcast %jit3A_168 : f32 to vector<1000x1xf32>
    %select_n3A_170 = arith.select %and3A_106, %div3A_83, %broadcast_in_dim3A_169 : vector<1000x1xi1>, vector<1000x1xf32>
    %swap3A_171 = arith.constant 0 : index
    %swap3A_172 = arith.constant 10 : index
    %swap3A_173 = vector.load %arg6[%swap3A_171, %swap3A_172] : memref<1000x16xf32, #tpu.memory_space<vmem>>, vector<1000x1xf32>
    tpu.vector_store %arg6[%swap3A_171, %swap3A_172], %select_n3A_170 {strides = array<i32>} : memref<1000x16xf32, #tpu.memory_space<vmem>>, vector<1000x1xf32>,
    %jit3A_174 = arith.constant 0.000000e+00 : f32
    %broadcast_in_dim3A_175 = vector.broadcast %jit3A_174 : f32 to vector<1000x1xf32>
    %select_n3A_176 = arith.select %and3A_106, %sub3A_90, %broadcast_in_dim3A_175 : vector<1000x1xi1>, vector<1000x1xf32>
    %swap3A_177 = arith.constant 0 : index
    %swap3A_178 = arith.constant 11 : index
    %swap3A_179 = vector.load %arg6[%swap3A_177, %swap3A_178] : memref<1000x16xf32, #tpu.memory_space<vmem>>, vector<1000x1xf32>
    tpu.vector_store %arg6[%swap3A_177, %swap3A_178], %select_n3A_176 {strides = array<i32>} : memref<1000x16xf32, #tpu.memory_space<vmem>>, vector<1000x1xf32>,
    %jit3A_180 = arith.constant 0.000000e+00 : f32
    %broadcast_in_dim3A_181 = vector.broadcast %jit3A_180 : f32 to vector<1000x1xf32>
    %select_n3A_182 = arith.select %and3A_106, %div3A_55, %broadcast_in_dim3A_181 : vector<1000x1xi1>, vector<1000x1xf32>
    %swap3A_183 = arith.constant 0 : index
    %swap3A_184 = arith.constant 12 : index
    %swap3A_185 = vector.load %arg6[%swap3A_183, %swap3A_184] : memref<1000x16xf32, #tpu.memory_space<vmem>>, vector<1000x1xf32>
    tpu.vector_store %arg6[%swap3A_183, %swap3A_184], %select_n3A_182 {strides = array<i32>} : memref<1000x16xf32, #tpu.memory_space<vmem>>, vector<1000x1xf32>,
    %jit3A_186 = arith.constant 0.000000e+00 : f32
    %broadcast_in_dim3A_187 = vector.broadcast %jit3A_186 : f32 to vector<1000x1xf32>
    %select_n3A_188 = arith.select %and3A_106, %div3A_84, %broadcast_in_dim3A_187 : vector<1000x1xi1>, vector<1000x1xf32>
    %swap3A_189 = arith.constant 0 : index
    %swap3A_190 = arith.constant 13 : index
    %swap3A_191 = vector.load %arg6[%swap3A_189, %swap3A_190] : memref<1000x16xf32, #tpu.memory_space<vmem>>, vector<1000x1xf32>
    tpu.vector_store %arg6[%swap3A_189, %swap3A_190], %select_n3A_188 {strides = array<i32>} : memref<1000x16xf32, #tpu.memory_space<vmem>>, vector<1000x1xf32>,
    %jit3A_192 = arith.constant 1.000000e+00 : f32
    %broadcast_in_dim3A_193 = vector.broadcast %jit3A_192 : f32 to vector<1000x1xf32>
    %select_n3A_194 = arith.select %and3A_106, %sub3A_93, %broadcast_in_dim3A_193 : vector<1000x1xi1>, vector<1000x1xf32>
    %swap3A_195 = arith.constant 0 : index
    %swap3A_196 = arith.constant 14 : index
    %swap3A_197 = vector.load %arg6[%swap3A_195, %swap3A_196] : memref<1000x16xf32, #tpu.memory_space<vmem>>, vector<1000x1xf32>
    tpu.vector_store %arg6[%swap3A_195, %swap3A_196], %select_n3A_194 {strides = array<i32>} : memref<1000x16xf32, #tpu.memory_space<vmem>>, vector<1000x1xf32>,
    %swap3A_198 = arith.constant 0 : index
    %swap3A_199 = arith.constant 15 : index
    %swap3A_200 = vector.load %arg6[%swap3A_198, %swap3A_199] : memref<1000x16xf32, #tpu.memory_space<vmem>>, vector<1000x1xf32>
    tpu.vector_store %arg6[%swap3A_198, %swap3A_199], %select_n3A_125 {strides = array<i32>} : memref<1000x16xf32, #tpu.memory_space<vmem>>, vector<1000x1xf32>,
    return
  }
  func.func @transform_0(%arg0: i32) -> (i32, i32) {
    %c0_i32 = arith.constant 0 : i32
    %c0_i32_0 = arith.constant 0 : i32
    return %arg0, %c0_i32 : i32, i32
  }
  func.func @transform_1(%arg0: i32) -> (i32, i32) {
    %c0_i32 = arith.constant 0 : i32
    %c0_i32_0 = arith.constant 0 : i32
    return %arg0, %c0_i32 : i32, i32
  }
  func.func @transform_2(%arg0: i32) -> (i32, i32) {
    %c0_i32 = arith.constant 0 : i32
    %c0_i32_0 = arith.constant 0 : i32
    return %arg0, %c0_i32 : i32, i32
  }
  func.func @transform_3(%arg0: i32) -> (i32, i32) {
    %c0_i32 = arith.constant 0 : i32
    %c0_i32_0 = arith.constant 0 : i32
    return %arg0, %c0_i32 : i32, i32
  }
  func.func @transform_4(%arg0: i32) -> (i32, i32) {
    %c0_i32 = arith.constant 0 : i32
    %c0_i32_0 = arith.constant 0 : i32
    return %arg0, %c0_i32 : i32, i32
  }
  func.func @transform_5(%arg0: i32) -> (i32, i32) {
    %c0_i32 = arith.constant 0 : i32
    %c0_i32_0 = arith.constant 0 : i32
    return %arg0, %c0_i32 : i32, i32
  }
}

</mosaic_0001>

<sc_bundles>
// kernel: kernel.6.cloned.1.call-start
scs
__scs_entry_jumppad:
0x0: {  	(pc) =	sbr.rel $0x88, $3  }
0x1: {  	(tag) =	ssettag $0x0;
	lr =	simm.s32 $0x1  }
0x2: {  	[smem:$0x3F9D] =	sst lr;
	_ =	strace $0xD0000000  }
0x3: {  	_ = 	snop  }
0x4: {  	_ = 	snop  }
0x5: {  	_ = 	snop  }
0x6: {  	_ = 	snop  }
0x7: {  	_ = 	snop  }
__scs_overlays_trampoline_lowered:
0x8: {  	[smem:$0x3FAC] =	sst s0  }
0x9: {  	[smem:$0x3FAD] =	sst s1  }
0xa: {  	[smem:$0x3FAE] =	sst s2  }
0xb: {  	[smem:$0x3FAF] =	sst s3  }
0xc: {  	[smem:$0x3FB0] =	sst s4  }
0xd: {  	[smem:$0x3FB1] =	sst s5  }
0xe: {  	[smem:$0x3FB2] =	sst s6  }
0xf: {  	[smem:$0x3FB3] =	sst s7  }
0x10: {  	[smem:$0x3FB4] =	sst s8  }
0x11: {  	[smem:$0x3FB5] =	sst s9;
	s0 =	simm.s32 @!p0 $0x0  }
0x12: {  	s1 =	sld [smem:$0x3F9B];
	s0 =	simm.s32 @p0 $0x1  }
0x13: {  	[smem:$0x3FB6] =	sst s0;
	s0 =	simm.s32 @!p1 $0x0  }
0x14: {  	s2 =	sld [smem:$0x3F9A];
	s0 =	simm.s32 @p1 $0x1  }
0x15: {  	[smem:$0x3FB7] =	sst s0;
	s0 =	simm.s32 @!p2 $0x0  }
0x16: {  	s3 =	sld [smem:$0x3FDB];
	s0 =	simm.s32 @p2 $0x1  }
0x17: {  	s4 =	simm.s32 $0x1BF5;
	[smem:$0x3FB9] =	sst s0  }
0x18: {  	s0 =	sld [smem:$0x3F9C];
	_ =	swait.ge [sflag:s4], $0x0  }
0x19: {  	s7 =	sld [smem:$0x3F9D]  }
0x1a: {  	s8 =	sadd.s32 $0xFFFFE003, lr  }
0x1b: {  	s9 =	sadd.s32 $0xFFFFFEF7, lr;
	s5 =	simm.s32 $0xFFFFFFFF;
	p2 =	slt.u32 s8, $0xFFFFF086  }
0x1c: {  	p1 =	slt.u32 s9, $0xF7A;
	s5 =	simm.s32 @!p2 $0x0  }
0x1d: {  	s5 =	simm.s32 @p1 $0x1;
	p0 =	seq.s32 s7, s2  }
0x1e: {  	s7 =	smul.u32 @!p0 $0xF7A, s2;
	p2 =	seq.s32 @!p0 s5, $0x0  }
0x1f: {  	s9 =	smul.u32 $0xF7A, s1;
	s8 =	simm.s32 @!p0 $0x1BF5;
	p2 =	por !p2, p0  }
0x20: {  	[sflag:s8] =	ssyncset.s32 @!p0 $0xFFFFF086;
	s6 =	sadd.s32 @!p0 s3, s7;
	s7 =	simm.s32 @!p0 $0x108  }
0x21: {  	s3 =	sadd.s32 s3, s9;
	s6 =	sadd.s32 @!p0 $0x88, s6;
	s7 =	simm.s32 @p2 $0x1082  }
0x22: {  	[simem:s7], [sflag:s8] =	dma.local @!p0 [hbm:s6], $0xF7A  }
0x23: {  	s9 =	sor.u32 $0xD0000000, s2;
	s6 =	simm.s32 $0x108;
	_ =	swait.ge @!p0 [sflag:s8], $0x0  }
0x24: {  	s3 =	sadd.s32 $0x88, s3;
	s6 =	simm.s32 @!p1 $0x1082;
	[sflag:s4] =	ssyncset.s32 $0xFFFFF086  }
0x25: {  	[simem:s6], [sflag:s4] =	dma.local [hbm:s3], $0xF7A  }
0x26: {  	[smem:$0x3F9D] =	sst s1;
	(tag) =	ssettag s2;
	_ =	strace s9  }
0x27: {  	s1 =	sld [smem:$0x3FAD]  }
0x28: {  	s2 =	sld [smem:$0x3FAE]  }
0x29: {  	s4 =	sld [smem:$0x3FB0]  }
0x2a: {  	p0 =	seq.s32 s5, $0x0;
	s5 =	sld [smem:$0x3FB1]  }
0x2b: {  	s6 =	sld [smem:$0x3FB2]  }
0x2c: {  	s7 =	sld [smem:$0x3FB3]  }
0x2d: {  	s3 =	simm.s32 $0x108;
	s8 =	sld [smem:$0x3FB4]  }
0x2e: {  	s3 =	simm.s32 @!p0 $0x1082;
	s9 =	sld [smem:$0x3FB5]  }
0x2f: {  	lr =	sadd.s32 s0, s3;
	s0 =	sld [smem:$0x3FAC]  }
0x30: {  	s3 =	sld [smem:$0x3FAF]  }
0x31: {  	[smem:$0x3FB8] =	sst s10  }
0x32: {  	s10 =	sld [smem:$0x3FB6];
	_ =	sdelay $0x3  }
0x33: {  	p0 =	seq.s32 s10, $0x1;
	s10 =	sld [smem:$0x3FB8];
	_ =	sdelay $0x3  }
0x34: {  	[smem:$0x3FB8] =	sst s10  }
0x35: {  	s10 =	sld [smem:$0x3FB7];
	_ =	sdelay $0x3  }
0x36: {  	p1 =	seq.s32 s10, $0x1;
	s10 =	sld [smem:$0x3FB8];
	_ =	sdelay $0x3  }
0x37: {  	[smem:$0x3FB8] =	sst s10  }
0x38: {  	s10 =	sld [smem:$0x3FB9]  }
0x39: {  	_ = 	snop;
	(pc) =	sbr.ind lr, $3  }
0x3a: {  	_ = 	snop  }
0x3b: {  	_ = 	snop  }
0x3c: {  	p2 =	seq.s32 s10, $0x1;
	s10 =	sld [smem:$0x3FB8]  }
0x3d: {  	_ =	shalt  }
0x3e: {  	_ =	shalt  }
0x3f: {  	_ =	shalt  }
0x40: {  	_ =	shalt  }
0x41: {  	_ =	shalt  }
0x42: {  	_ =	shalt  }
0x43: {  	_ =	shalt  }
0x44: {  	_ =	shalt  }
0x45: {  	_ =	shalt  }
0x46: {  	_ =	shalt  }
0x47: {  	_ =	shalt  }
0x48: {  	_ =	shalt  }
0x49: {  	_ =	shalt  }
0x4a: {  	_ =	shalt  }
0x4b: {  	_ =	shalt  }
0x4c: {  	_ =	shalt  }
0x4d: {  	_ =	shalt  }
0x4e: {  	_ =	shalt  }
0x4f: {  	_ =	shalt  }
0x50: {  	_ =	shalt  }
0x51: {  	_ =	shalt  }
0x52: {  	_ =	shalt  }
0x53: {  	_ =	shalt  }
0x54: {  	_ =	shalt  }
0x55: {  	_ =	shalt  }
0x56: {  	_ =	shalt  }
0x57: {  	_ =	shalt  }
0x58: {  	_ =	shalt  }
0x59: {  	_ =	shalt  }
0x5a: {  	_ =	shalt  }
0x5b: {  	_ =	shalt  }
0x5c: {  	_ =	shalt  }
0x5d: {  	_ =	shalt  }
0x5e: {  	_ =	shalt  }
0x5f: {  	_ =	shalt  }
0x60: {  	_ =	shalt  }
0x61: {  	_ =	shalt  }
0x62: {  	_ =	shalt  }
0x63: {  	_ =	shalt  }
0x64: {  	_ =	shalt  }
0x65: {  	_ =	shalt  }
0x66: {  	_ =	shalt  }
0x67: {  	_ =	shalt  }
0x68: {  	_ =	shalt  }
0x69: {  	_ =	shalt  }
0x6a: {  	_ =	shalt  }
0x6b: {  	_ =	shalt  }
0x6c: {  	_ =	shalt  }
0x6d: {  	_ =	shalt  }
0x6e: {  	_ =	shalt  }
0x6f: {  	_ =	shalt  }
0x70: {  	_ =	shalt  }
0x71: {  	_ =	shalt  }
0x72: {  	_ =	shalt  }
0x73: {  	_ =	shalt  }
0x74: {  	_ =	shalt  }
0x75: {  	_ =	shalt  }
0x76: {  	_ =	shalt  }
0x77: {  	_ =	shalt  }
0x78: {  	_ =	shalt  }
0x79: {  	_ =	shalt  }
0x7a: {  	_ =	shalt  }
0x7b: {  	_ =	shalt  }
0x7c: {  	_ =	shalt  }
0x7d: {  	_ =	shalt  }
0x7e: {  	_ =	shalt  }
0x7f: {  	_ =	shalt  }
0x80: {  	_ =	shalt  }
0x81: {  	_ =	shalt  }
0x82: {  	_ =	shalt  }
0x83: {  	_ =	shalt  }
0x84: {  	_ =	shalt  }
0x85: {  	_ =	shalt  }
0x86: {  	_ =	shalt  }
0x87: {  	_ =	shalt  }
.Lfunc_end0:
.L_simem_size_0:
called_computation_lowered:
.L_overlay_start_0:
0x88: {  	s2 =	sld [smem:$0x3FD9]  }
0x89: {  	s3 =	sld [smem:$0x3FFE];
	_ =	sdelay $0x1  }
0x8a: {  	s1 =	srdreg.scid  }
0x8b: {  	s0 =	sand.u32 $0x1, s1  }
0x8c: {  	s17 =	sshll.u32 s0, $0xA;
	s2 =	sadd.s32 s3, s2  }
0x8d: {  	s2 =	sadd.s32 s2, s17  }
0x8e: {  	[smem:$0x3FC4] =	sst s2  }
0x8f: {  	_ = 	snop  }
0x90: {  	s18 =	sld [smem:$0x3FC9];
	(tm) =	ssettm $0x1  }
0x91: {  	s19 =	sld [smem:$0x3FFB];
	_ =	sdelay $0x3  }
0x92: {  	_ =	strace s19  }
0x93: {  	s2 =	sld [smem:$0x3FFC];
	_ =	sdelay $0x3  }
0x94: {  	_ =	strace s2  }
0x95: {  	s2 =	sld [smem:$0x3FFD];
	_ =	sdelay $0x3  }
0x96: {  	_ =	strace s2  }
0x97: {  	_ =	strace $0x8FFFFFFF  }
0x98: {  	s20 =	sld [smem:$0x3FDB];
	_ =	sdelay $0x1  }
0x99: {  	s4 =	simm.s32 $_scs_section_size  }
0x9a: {  	s5 =	simm.s32 $_size__tile_overlayer_lowered;
	s6 =	simm.s32 $_tile_overlayer_lowered  }
0x9b: {  	s7 =	simm.s32 $0x1BFF;
	s21 =	sshll.u32 s6, $0x1;
	s4 =	sadd.s32 s4, s20  }
0x9c: {  	s22 =	simm.s32 $0x0;
	s5 =	sshll.u32 s5, $0x1;
	s6 =	sadd.s32 s21, s4  }
0x9d: {  	[timem:s22], [sflag:s7] =	dma.local [hbm:s6], s5  }
0x9e: {  	_ =	swait.ge [sflag:s7], s5  }
0x9f: {  	s5 =	ssub.s32 $0x0, s5;
	[sflag:s7] =	ssyncset.done $0x0  }
0xa0: {  	[sflag:s7] =	ssyncadd.s32 s5;
	_ =	sdelay $0x1  }
0xa1: {  	s23 =	simm.s32 $0x1B8B  }
0xa2: {  	_ =	swait.ge [sflag:s23], $0x1  }
0xa3: {  	[sflag:s23] =	ssyncset.done $0x0  }
0xa4: {  	[sflag:s23] =	ssyncadd.s32 $0xFFFFFFFF  }
0xa5: {  	s5 =	sld [smem:$0x0]  }
0xa6: {  	s6 =	sand.u32 $0xFFFFFFFE, s1  }
0xa7: {  	p0 =	sne.s32 s1, s6  }
0xa8: {  	s6 =	sshll.u32 @p0 s6, $0xE  }
0xa9: {  	s6 =	sadd.s32 @p0 $0x11B8D, s6;
	s7 =	sshll.u32 @p0 s5, $0x11  }
0xaa: {  	s6 =	sor.u32 @p0 s7, s6  }
0xab: {  	[sflag:s6] =	ssyncadd.remote.s32 @p0 $0x1;
	_ =	sdelay $0x1  }
0xac: {  	s6 =	simm.s32 @p0 $0x1B8D  }
0xad: {  	_ =	swait.eq @p0 [sflag:s6], $0x1  }
0xae: {  	[sflag:s6] =	ssyncadd.s32 @p0 $0xFFFFFFFF  }
0xaf: {  	s7 =	sshll.u32 @!p0 s1, $0xE  }
0xb0: {  	s7 =	sor.u32 @!p0 $0x4000, s7;
	s6 =	simm.s32 @!p0 $0x1B8D  }
0xb1: {  	s5 =	sshll.u32 @!p0 s5, $0x11;
	s7 =	sadd.s32 @!p0 $0x11B8D, s7;
	_ =	swait.eq @!p0 [sflag:s6], $0x1  }
0xb2: {  	s5 =	sor.u32 @!p0 s5, s7;
	[sflag:s6] =	ssyncadd.s32 @!p0 $0xFFFFFFFF  }
0xb3: {  	s25 =	simm.s32 $0x1B8E;
	s24 =	sld [smem:$0x3FFE];
	[sflag:s5] =	ssyncadd.remote.s32 @!p0 $0x1  }
0xb4: {  	s26 =	simm.s32 $execute0_lowered;
	[smem:$0x3FD2] =	sst s25  }
0xb5: {  	s6 =	sshll.u32 s26, $0x1;
	_ =	strace $0x80000049;
	[dreg:$0x1] =	wrdreg $0xFFFFFFFF  }
0xb6: {  	s28 =	simm.s32 $_size_execute0_lowered;
	s4 =	sadd.s32 s4, s6;
	[dreg:$0x0] =	wrdreg $0x0  }
0xb7: {  	s6 =	sshll.u32 s28, $0x1;
	[dreg:$0x2] =	wrdreg s4  }
0xb8: {  	[dreg:$0x3] =	wrdreg s6  }
0xb9: {  	[dreg:$0x4] =	wrdreg $0xC0  }
0xba: {  	_ =	task [dreg:s22], $0x5FFFF  }
0xbb: {  	[dreg:$0x1] =	wrdreg $0xFFFFFFFF  }
0xbc: {  	[dreg:$0x0] =	wrdreg $0x60  }
0xbd: {  	[dreg:$0x2] =	wrdreg s18  }
0xbe: {  	[dreg:$0x3] =	wrdreg s24  }
0xbf: {  	[dreg:$0x4] =	wrdreg $0x88000  }
0xc0: {  	[dreg:$0x5] =	wrdreg $0x9  }
0xc1: {  	_ =	task.clear_ibuf [dreg:s22], $0x6FFFF;
	_ =	strace $0x90000049  }
0xc2: {  	s29 =	simm.s32 $0x9;
	_ =	strace $0x8000004B  }
0xc3: {  	_ =	swait.ge [sflag:s29], $0x1  }
0xc4: {  	[sflag:s29] =	ssyncadd.s32 $0xFFFFFFFF  }
0xc5: {  	_ =	strace $0x9000004B  }
0xc6: {  	_ =	sfence  }
0xc7: {  	s30 =	sld [smem:$0x0];
	_ =	sdelay $0x2  }
0xc8: {  	s31 =	sshll.u32 s1, $0xD;
	s1 =	sshrl.u32 s1, $0x2  }
0xc9: {  	s4 =	sand.u32 $0x4000, s31;
	s1 =	sadd.s32 s1, s30  }
0xca: {  	s0 =	sor.u32 s4, s0;
	s1 =	sshll.u32 s1, $0x11  }
0xcb: {  	s0 =	sor.u32 s1, s0  }
0xcc: {  	s0 =	sadd.s32 $0x8F2B, s0  }
0xcd: {  	[sflag:s0] =	ssyncadd.remote.s32 $0x1  }
0xce: {  	_ =	sfence.sel $0xFFFF  }
0xcf: {  	[dreg:$0x0] =	wrdreg $0xFFFFFFFF;
	(pc) =	sbr.abs _section_cstart, $3  }
0xd0: {  	[dreg:$0x1] =	wrdreg $0xFFFFFFFF  }
0xd1: {  	_ =	task.clear_ibuf [dreg:s22], $0x2FFFF;
	_ =	strace $0x9FFFFFFF  }
0xd2: {  	(tm) =	ssettm $0x7FFFFFFF  }
0xd3: {  	_ =	shalt  }
tec
execute0_lowered:
.L_overlay_start_1:
0x0: {  	(tag) =	ssettag $0x1  }
0x1: {  	s11 =	rddreg [dreg:$0x0]  }
0x2: {  	s4 =	rddreg [dreg:$0x1]  }
0x3: {  	s2 =	rddreg [dreg:$0x2]  }
0x4: {  	s0 =	rddreg [dreg:$0x3];
	s1 =	stileid.u32  }
0x5: {  	s5 =	srdreg.scid;
	s3 =	simm.s32 $0x0;
	s16 =	simm.s32 $0x1  }
0x6: {  	s17 =	simm.s32 $0x2;
	s18 =	simm.s32 $0x4000;
	s19 =	simm.s32 $0x8400  }
0x7: {  	s20 =	simm.s32 $0x80;
	s21 =	simm.s32 $0x6;
	s6 =	smul.u32 $0x2780, s1  }
0x8: {  	s12 =	sand.u32 $0x1, s5;
	[smem:$0x7FF] =	sst s3;
	s13 =	sadd.s32 $0xC6E00, s4  }
0x9: {  	s8 =	smul.u32 $0x4F000, s1;
	s26 =	sshll.u32 s1, $0x6;
	s30 =	sshll.u32 s1, $0xB  }
0xa: {  	s31 =	sshll.u32 s1, $0x7;
	s5 =	smul.u32 $0x27800, s12;
	_ =	strace $0x8000004A  }
0xb: {  	s22 =	ssub.s32 $0x2, s12;
	s24 =	sshll.u32 s12, $0x4;
	s15 =	sshll.u32 s12, $0xF  }
0xc: {  	s12 =	sshll.u32 s12, $0xB;
	s7 =	sadd.s32 s6, s4;
	s23 =	sshrl.u32 s22, $0x1  }
0xd: {  	s25 =	sshrl.u32 s8, $0x2;
	s12 =	sadd.s32 s12, s13;
	s5 =	sadd.s32 s6, s5  }
0xe: {  	s10 =	ssub.s32 s22, s23;
	s14 =	sadd.s32 s25, s2;
	s6 =	sor.u32 $0x1C05, s26  }
0xf: {  	s22 =	simm.s32 $0x3;
	s23 =	simm.s32 $0x4;
	s9 =	sadd.s32 s5, s4  }
0x10: {  	s4 =	sor.u32 s1, s24;
	s5 =	sadd.s32 $0x50600, s7;
	s10 =	smax.u32 s10, $0x1  }
0x11: {  	s28 =	sshll.u32 s4, $0xB;
	s29 =	sshll.u32 s4, $0x7;
	s9 =	sadd.s32 $0x115000, s9  }
0x12: {  	s24 =	sor.u32 $0x9C0, s4;
	s7 =	sadd.s32 s11, s28;
	s8 =	sadd.s32 s13, s29  }
0x13: {  	s11 =	sadd.s32 s15, s11;
	s13 =	sshrl.u32 s14, $0x3;
	s14 =	simm.s32 $0x5  }
0x14: {  	p0 =	sgt.u32 s24, $0x9C3;
	s24 =	simm.s32 $0x0;
	s15 =	sadd.s32 s30, s11  }
0x15: {  	s11 =	sadd.s32 s31, s12;
	s12 =	sadd.s32 $0x20000, s15;
	s15 =	simm.s32 $0x8000  }
.LBB2_1:
0x16: {  	[spmem:s13], [sflag:s6] =	dma.local [hbm:s5], $0x2780  }
0x17: {  	_ =	swait.ge [sflag:s14], $0x2780  }
0x18: {  	[sflag:s14] =	ssyncset.done $0x0  }
0x19: {  	[sflag:s14] =	ssyncadd.s32 $0xFFFFD880  }
0x1a: {  	[bflag:$0x0] =	sbarrier.arrive $0xFFFF  }
0x1b: {  	[tilespmem:s3], [sflag:$0x1] =	stream.linear.gather [hbm4b:s7+s3], $0x4000, $0x38;
	[tilespmem:$0x1C400] =	vst v63  }
0x1c: {  	_ = 	snop  }
0x1d: {  	[tilespmem:s15], [sflag:$0x2] =	stream.linear.gather [hbm4b:s8+s3], $0x400, $0x38;
	[tilespmem:$0x1C400] =	vst v63  }
0x1e: {  	_ =	swait.ge [sflag:s16], $0x4000  }
0x1f: {  	[sflag:s16] =	ssyncset.done $0x0  }
0x20: {  	[sflag:s16] =	ssyncadd.s32 $0xFFFFC000  }
0x21: {  	_ =	swait.ge [sflag:s17], $0x400  }
0x22: {  	[sflag:s17] =	ssyncset.done $0x0  }
0x23: {  	s25 =	sadd.s32 $0xFFFF0000, s12;
	s26 =	sadd.s32 $0x0, s11;
	[sflag:s17] =	ssyncadd.s32 $0xFFFFFC00  }
0x24: {  	[tilespmem:s18], [sflag:$0x3] =	stream.linear.gather [hbm4b:s25+s3], $0x4000, $0x38;
	[tilespmem:$0x1C400] =	vst v63  }
0x25: {  	s31 =	sadd.s32 $0x1000, s26  }
0x26: {  	[tilespmem:s19], [sflag:$0x4] =	stream.linear.gather [hbm4b:s31+s3], $0x400, $0x38;
	[tilespmem:$0x1C400] =	vst v63  }
0x27: {  	_ = 	snop  }
0x28: {  	[spmem:s2] =	stream.indirect.scatter.add.f32 [tilespmem:s3], [sflag:$0x6], $0x80, s15, s20, $0xb8;
	[tilespmem:$0x1C400] =	vst v63  }
0x29: {  	_ =	swait.ge [sflag:s21], $0x4000  }
0x2a: {  	[sflag:s21] =	ssyncset.done $0x0  }
0x2b: {  	[sflag:s21] =	ssyncadd.s32 $0xFFFFC000  }
0x2c: {  	_ =	swait.ge [sflag:s22], $0x4000  }
0x2d: {  	[sflag:s22] =	ssyncset.done $0x0  }
0x2e: {  	[sflag:s22] =	ssyncadd.s32 $0xFFFFC000  }
0x2f: {  	_ =	swait.ge [sflag:s23], $0x400  }
0x30: {  	p1 =	sgt.u32 s4, $0x983;
	[sflag:s23] =	ssyncset.done $0x0  }
0x31: {  	s26 =	sadd.s32 @!p1 $0x0, s11;
	s25 =	simm.s32 @!p1 $0x0;
	[sflag:s23] =	ssyncadd.s32 $0xFFFFFC00  }
0x32: {  	[tilespmem:s25], [sflag:$0x1] =	stream.linear.gather @!p1 [hbm4b:s12+s25], $0x4000, $0x38;
	[tilespmem:$0x1C400] =	vst v63  }
0x33: {  	s28 =	simm.s32 @!p1 $0x8000;
	s26 =	sadd.s32 @!p1 $0x2000, s26  }
0x34: {  	[tilespmem:s28], [sflag:$0x2] =	stream.linear.gather @!p1 [hbm4b:s26+s25], $0x400, $0x38;
	[tilespmem:$0x1C400] =	vst v63  }
0x35: {  	_ = 	snop  }
0x36: {  	[spmem:s2] =	stream.indirect.scatter.add.f32 [tilespmem:s18], [sflag:$0x5], $0x80, s19, s20, $0xb8;
	[tilespmem:$0x1C400] =	vst v63  }
0x37: {  	s25 =	simm.s32 $0x2000;
	_ =	swait.ge [sflag:s14], $0x4000  }
0x38: {  	s26 =	sadd.s32 $0x40, s4;
	s28 =	smov.u32 s12;
	[sflag:s14] =	ssyncset.done $0x0  }
.LBB2_2:
0x39: {  	[sflag:s14] =	ssyncadd.s32 $0xFFFFC000  }
0x3a: {  	s28 =	sadd.s32 $0x20000, s28;
	s29 =	smov.u32 s25;
	s25 =	sadd.s32 $0x2000, s25  }
0x3b: {  	p1 =	sne.s32 s25, $0x4E000  }
0x3c: {  	_ =	swait.ge [sflag:s16], $0x4000  }
0x3d: {  	[sflag:s16] =	ssyncset.done $0x0  }
0x3e: {  	[sflag:s16] =	ssyncadd.s32 $0xFFFFC000  }
0x3f: {  	_ =	swait.ge [sflag:s17], $0x400  }
0x40: {  	[sflag:s17] =	ssyncset.done $0x0  }
0x41: {  	s30 =	sadd.s32 $0xFFFF0000, s28;
	s31 =	sadd.s32 s29, s11;
	[sflag:s17] =	ssyncadd.s32 $0xFFFFFC00  }
0x42: {  	[tilespmem:s18], [sflag:$0x3] =	stream.linear.gather [hbm4b:s30+s3], $0x4000, $0x38;
	[tilespmem:$0x1C400] =	vst v63  }
0x43: {  	s30 =	sadd.s32 $0x1000, s31  }
0x44: {  	[tilespmem:s19], [sflag:$0x4] =	stream.linear.gather [hbm4b:s30+s3], $0x400, $0x38;
	[tilespmem:$0x1C400] =	vst v63  }
0x45: {  	_ = 	snop  }
0x46: {  	[spmem:s2] =	stream.indirect.scatter.add.f32 [tilespmem:s3], [sflag:$0x6], $0x80, s15, s20, $0xb8;
	[tilespmem:$0x1C400] =	vst v63  }
0x47: {  	_ =	swait.ge [sflag:s21], $0x4000  }
0x48: {  	[sflag:s21] =	ssyncset.done $0x0  }
0x49: {  	[sflag:s21] =	ssyncadd.s32 $0xFFFFC000  }
0x4a: {  	_ =	swait.ge [sflag:s22], $0x4000  }
0x4b: {  	[sflag:s22] =	ssyncset.done $0x0  }
0x4c: {  	[sflag:s22] =	ssyncadd.s32 $0xFFFFC000  }
0x4d: {  	_ =	swait.ge [sflag:s23], $0x400  }
0x4e: {  	p2 =	sgt.u32 s26, $0x983;
	[sflag:s23] =	ssyncset.done $0x0  }
0x4f: {  	s29 =	sadd.s32 @!p2 s29, s11;
	s30 =	simm.s32 @!p2 $0x0;
	[sflag:s23] =	ssyncadd.s32 $0xFFFFFC00  }
0x50: {  	[tilespmem:s30], [sflag:$0x1] =	stream.linear.gather @!p2 [hbm4b:s28+s30], $0x4000, $0x38;
	[tilespmem:$0x1C400] =	vst v63  }
0x51: {  	s29 =	sadd.s32 @!p2 $0x2000, s29;
	s31 =	simm.s32 @!p2 $0x8000  }
0x52: {  	[tilespmem:s31], [sflag:$0x2] =	stream.linear.gather @!p2 [hbm4b:s29+s30], $0x400, $0x38;
	[tilespmem:$0x1C400] =	vst v63  }
.Ltmp0:
0x53: {  	_ = 	snop;
	(pc) =	sbr.rel @p1 .LBB2_2-.Ltmp0, $4  }
0x54: {  	_ = 	snop  }
0x55: {  	[spmem:s2] =	stream.indirect.scatter.add.f32 [tilespmem:s18], [sflag:$0x5], $0x80, s19, s20, $0xb8;
	[tilespmem:$0x1C400] =	vst v63  }
0x56: {  	_ =	swait.ge [sflag:s14], $0x4000  }
0x57: {  	s26 =	sadd.s32 $0x40, s26;
	[sflag:s14] =	ssyncset.done $0x0  }
0x58: {  	[sflag:s14] =	ssyncadd.s32 $0xFFFFC000;
	s25 =	simm.s32 @!p0 $0x1  }
0x59: {  	_ =	swait.ge @!p0 [sflag:s25], $0x4000  }
0x5a: {  	[sflag:s25] =	ssyncset.done @!p0 $0x0  }
0x5b: {  	[sflag:s25] =	ssyncadd.s32 @!p0 $0xFFFFC000;
	s25 =	simm.s32 @!p0 $0x2  }
0x5c: {  	_ =	swait.ge @!p0 [sflag:s25], $0x400  }
0x5d: {  	s26 =	simm.s32 @!p0 $0x8000;
	[sflag:s25] =	ssyncset.done @!p0 $0x0  }
0x5e: {  	s28 =	simm.s32 @!p0 $0x0;
	[sflag:s25] =	ssyncadd.s32 @!p0 $0xFFFFFC00;
	s25 =	simm.s32 @!p0 $0x80  }
0x5f: {  	[spmem:s2] =	stream.indirect.scatter.add.f32 @!p0 [tilespmem:s28], [sflag:$0x6], $0x80, s26, s25, $0xb8;
	[tilespmem:$0x1C400] =	vst v63  }
0x60: {  	s25 =	simm.s32 @!p0 $0x6  }
0x61: {  	_ =	swait.ge @!p0 [sflag:s25], $0x4000  }
0x62: {  	s24 =	sadd.s32 $0x1, s24;
	[sflag:s25] =	ssyncset.done @!p0 $0x0  }
0x63: {  	p1 =	sne.s32 s24, s10;
	[sflag:s25] =	ssyncadd.s32 @!p0 $0xFFFFC000  }
.Ltmp1:
0x64: {  	[bflag:$0x0] =	sbarrier.arrive $0xFFFF;
	(pc) =	sbr.rel @p1 .LBB2_1-.Ltmp1, $4  }
0x65: {  	[hbm:s9], [sflag:s6] =	dma.local [spmem:s13], $0x2780  }
0x66: {  	_ =	swait.ge [sflag:s14], $0x2780  }
0x67: {  	[sflag:s14] =	ssyncset.done $0x0  }
0x68: {  	[sflag:s14] =	ssyncadd.s32 $0xFFFFD880  }
0x69: {  	_ =	sfence.sel $0x180000  }
0x6a: {  	[bflag:$0x0] =	sbarrier.arrive $0xFFFF  }
0x6b: {  	p0 =	sne.s32 s1, $0x0;
	_ =	strace $0x9000004A  }
0x6c: {  	s0 =	sadd.s32 @!p0 $0x100000, s0;
	[bflag:$0x2] =	sbarrier.arrive $0xFFFF  }
0x6d: {  	[sflag:s0] =	ssyncadd.tile.s32 @!p0 $0x1;
	_ =	shalt  }
.Lfunc_end2:
_tile_overlayer_lowered:
.L_overlay_start_2:
0x6e: {  	(tag) =	ssettag $0x2  }
0x6f: {  	s0 =	rddreg [dreg:$0x0];
	s2 =	stileid.u32  }
0x70: {  	s1 =	rddreg [dreg:$0x1];
	p0 =	sne.s32 s2, $0x0  }
0x71: {  	s3 =	rddreg [dreg:$0x2];
	[bflag:$0x3] =	sbarrier.arrive $0xFFFF;
	s2 =	simm.s32 @!p0 $0x1C05  }
0x72: {  	[timem:s3], [sflag:s2] =	dma.local @!p0 [hbm:s0], s1  }
0x73: {  	s0 =	simm.s32 @!p0 $0x5  }
0x74: {  	_ =	swait.ge @!p0 [sflag:s0], s1  }
0x75: {  	s1 =	ssub.s32 @!p0 $0x0, s1;
	[sflag:s0] =	ssyncset.done @!p0 $0x0  }
0x76: {  	[sflag:s0] =	ssyncadd.s32 @!p0 s1  }
0x77: {  	[bflag:$0x3] =	sbarrier.arrive $0xFFFF  }
0x78: {  	_ =	shalt  }

// kernel: kernel.9.cloned.1.call-start
scs
__scs_entry_jumppad:
0x0: {  	(pc) =	sbr.rel $0x88, $3  }
0x1: {  	(tag) =	ssettag $0x0;
	lr =	simm.s32 $0x1  }
0x2: {  	[smem:$0x3F9D] =	sst lr;
	_ =	strace $0xD0000000  }
0x3: {  	_ = 	snop  }
0x4: {  	_ = 	snop  }
0x5: {  	_ = 	snop  }
0x6: {  	_ = 	snop  }
0x7: {  	_ = 	snop  }
__scs_overlays_trampoline_lowered:
0x8: {  	[smem:$0x3FAC] =	sst s0  }
0x9: {  	[smem:$0x3FAD] =	sst s1  }
0xa: {  	[smem:$0x3FAE] =	sst s2  }
0xb: {  	[smem:$0x3FAF] =	sst s3  }
0xc: {  	[smem:$0x3FB0] =	sst s4  }
0xd: {  	[smem:$0x3FB1] =	sst s5  }
0xe: {  	[smem:$0x3FB2] =	sst s6  }
0xf: {  	[smem:$0x3FB3] =	sst s7  }
0x10: {  	[smem:$0x3FB4] =	sst s8  }
0x11: {  	[smem:$0x3FB5] =	sst s9;
	s0 =	simm.s32 @!p0 $0x0  }
0x12: {  	s1 =	sld [smem:$0x3F9B];
	s0 =	simm.s32 @p0 $0x1  }
0x13: {  	[smem:$0x3FB6] =	sst s0;
	s0 =	simm.s32 @!p1 $0x0  }
0x14: {  	s2 =	sld [smem:$0x3F9A];
	s0 =	simm.s32 @p1 $0x1  }
0x15: {  	[smem:$0x3FB7] =	sst s0;
	s0 =	simm.s32 @!p2 $0x0  }
0x16: {  	s3 =	sld [smem:$0x3FDB];
	s0 =	simm.s32 @p2 $0x1  }
0x17: {  	s4 =	simm.s32 $0x1BF5;
	[smem:$0x3FB9] =	sst s0  }
0x18: {  	s0 =	sld [smem:$0x3F9C];
	_ =	swait.ge [sflag:s4], $0x0  }
0x19: {  	s7 =	sld [smem:$0x3F9D]  }
0x1a: {  	s8 =	sadd.s32 $0xFFFFE003, lr  }
0x1b: {  	s9 =	sadd.s32 $0xFFFFFEF7, lr;
	s5 =	simm.s32 $0xFFFFFFFF;
	p2 =	slt.u32 s8, $0xFFFFF086  }
0x1c: {  	p1 =	slt.u32 s9, $0xF7A;
	s5 =	simm.s32 @!p2 $0x0  }
0x1d: {  	s5 =	simm.s32 @p1 $0x1;
	p0 =	seq.s32 s7, s2  }
0x1e: {  	s7 =	smul.u32 @!p0 $0xF7A, s2;
	p2 =	seq.s32 @!p0 s5, $0x0  }
0x1f: {  	s9 =	smul.u32 $0xF7A, s1;
	s8 =	simm.s32 @!p0 $0x1BF5;
	p2 =	por !p2, p0  }
0x20: {  	[sflag:s8] =	ssyncset.s32 @!p0 $0xFFFFF086;
	s6 =	sadd.s32 @!p0 s3, s7;
	s7 =	simm.s32 @!p0 $0x108  }
0x21: {  	s3 =	sadd.s32 s3, s9;
	s6 =	sadd.s32 @!p0 $0x88, s6;
	s7 =	simm.s32 @p2 $0x1082  }
0x22: {  	[simem:s7], [sflag:s8] =	dma.local @!p0 [hbm:s6], $0xF7A  }
0x23: {  	s9 =	sor.u32 $0xD0000000, s2;
	s6 =	simm.s32 $0x108;
	_ =	swait.ge @!p0 [sflag:s8], $0x0  }
0x24: {  	s3 =	sadd.s32 $0x88, s3;
	s6 =	simm.s32 @!p1 $0x1082;
	[sflag:s4] =	ssyncset.s32 $0xFFFFF086  }
0x25: {  	[simem:s6], [sflag:s4] =	dma.local [hbm:s3], $0xF7A  }
0x26: {  	[smem:$0x3F9D] =	sst s1;
	(tag) =	ssettag s2;
	_ =	strace s9  }
0x27: {  	s1 =	sld [smem:$0x3FAD]  }
0x28: {  	s2 =	sld [smem:$0x3FAE]  }
0x29: {  	s4 =	sld [smem:$0x3FB0]  }
0x2a: {  	p0 =	seq.s32 s5, $0x0;
	s5 =	sld [smem:$0x3FB1]  }
0x2b: {  	s6 =	sld [smem:$0x3FB2]  }
0x2c: {  	s7 =	sld [smem:$0x3FB3]  }
0x2d: {  	s3 =	simm.s32 $0x108;
	s8 =	sld [smem:$0x3FB4]  }
0x2e: {  	s3 =	simm.s32 @!p0 $0x1082;
	s9 =	sld [smem:$0x3FB5]  }
0x2f: {  	lr =	sadd.s32 s0, s3;
	s0 =	sld [smem:$0x3FAC]  }
0x30: {  	s3 =	sld [smem:$0x3FAF]  }
0x31: {  	[smem:$0x3FB8] =	sst s10  }
0x32: {  	s10 =	sld [smem:$0x3FB6];
	_ =	sdelay $0x3  }
0x33: {  	p0 =	seq.s32 s10, $0x1;
	s10 =	sld [smem:$0x3FB8];
	_ =	sdelay $0x3  }
0x34: {  	[smem:$0x3FB8] =	sst s10  }
0x35: {  	s10 =	sld [smem:$0x3FB7];
	_ =	sdelay $0x3  }
0x36: {  	p1 =	seq.s32 s10, $0x1;
	s10 =	sld [smem:$0x3FB8];
	_ =	sdelay $0x3  }
0x37: {  	[smem:$0x3FB8] =	sst s10  }
0x38: {  	s10 =	sld [smem:$0x3FB9]  }
0x39: {  	_ = 	snop;
	(pc) =	sbr.ind lr, $3  }
0x3a: {  	_ = 	snop  }
0x3b: {  	_ = 	snop  }
0x3c: {  	p2 =	seq.s32 s10, $0x1;
	s10 =	sld [smem:$0x3FB8]  }
0x3d: {  	_ =	shalt  }
0x3e: {  	_ =	shalt  }
0x3f: {  	_ =	shalt  }
0x40: {  	_ =	shalt  }
0x41: {  	_ =	shalt  }
0x42: {  	_ =	shalt  }
0x43: {  	_ =	shalt  }
0x44: {  	_ =	shalt  }
0x45: {  	_ =	shalt  }
0x46: {  	_ =	shalt  }
0x47: {  	_ =	shalt  }
0x48: {  	_ =	shalt  }
0x49: {  	_ =	shalt  }
0x4a: {  	_ =	shalt  }
0x4b: {  	_ =	shalt  }
0x4c: {  	_ =	shalt  }
0x4d: {  	_ =	shalt  }
0x4e: {  	_ =	shalt  }
0x4f: {  	_ =	shalt  }
0x50: {  	_ =	shalt  }
0x51: {  	_ =	shalt  }
0x52: {  	_ =	shalt  }
0x53: {  	_ =	shalt  }
0x54: {  	_ =	shalt  }
0x55: {  	_ =	shalt  }
0x56: {  	_ =	shalt  }
0x57: {  	_ =	shalt  }
0x58: {  	_ =	shalt  }
0x59: {  	_ =	shalt  }
0x5a: {  	_ =	shalt  }
0x5b: {  	_ =	shalt  }
0x5c: {  	_ =	shalt  }
0x5d: {  	_ =	shalt  }
0x5e: {  	_ =	shalt  }
0x5f: {  	_ =	shalt  }
0x60: {  	_ =	shalt  }
0x61: {  	_ =	shalt  }
0x62: {  	_ =	shalt  }
0x63: {  	_ =	shalt  }
0x64: {  	_ =	shalt  }
0x65: {  	_ =	shalt  }
0x66: {  	_ =	shalt  }
0x67: {  	_ =	shalt  }
0x68: {  	_ =	shalt  }
0x69: {  	_ =	shalt  }
0x6a: {  	_ =	shalt  }
0x6b: {  	_ =	shalt  }
0x6c: {  	_ =	shalt  }
0x6d: {  	_ =	shalt  }
0x6e: {  	_ =	shalt  }
0x6f: {  	_ =	shalt  }
0x70: {  	_ =	shalt  }
0x71: {  	_ =	shalt  }
0x72: {  	_ =	shalt  }
0x73: {  	_ =	shalt  }
0x74: {  	_ =	shalt  }
0x75: {  	_ =	shalt  }
0x76: {  	_ =	shalt  }
0x77: {  	_ =	shalt  }
0x78: {  	_ =	shalt  }
0x79: {  	_ =	shalt  }
0x7a: {  	_ =	shalt  }
0x7b: {  	_ =	shalt  }
0x7c: {  	_ =	shalt  }
0x7d: {  	_ =	shalt  }
0x7e: {  	_ =	shalt  }
0x7f: {  	_ =	shalt  }
0x80: {  	_ =	shalt  }
0x81: {  	_ =	shalt  }
0x82: {  	_ =	shalt  }
0x83: {  	_ =	shalt  }
0x84: {  	_ =	shalt  }
0x85: {  	_ =	shalt  }
0x86: {  	_ =	shalt  }
0x87: {  	_ =	shalt  }
.Lfunc_end0:
.L_simem_size_0:
called_computation.1_lowered:
.L_overlay_start_0:
0x88: {  	s2 =	sld [smem:$0x3FD9]  }
0x89: {  	s3 =	sld [smem:$0x3FFE];
	_ =	sdelay $0x1  }
0x8a: {  	s1 =	srdreg.scid  }
0x8b: {  	s0 =	sand.u32 $0x1, s1  }
0x8c: {  	s16 =	sshll.u32 s0, $0xA;
	s2 =	sadd.s32 s3, s2  }
0x8d: {  	s2 =	sadd.s32 s2, s16  }
0x8e: {  	[smem:$0x3FC4] =	sst s2  }
0x8f: {  	_ = 	snop  }
0x90: {  	(tm) =	ssettm $0x1  }
0x91: {  	s17 =	sld [smem:$0x3FFB];
	_ =	sdelay $0x3  }
0x92: {  	_ =	strace s17  }
0x93: {  	s2 =	sld [smem:$0x3FFC];
	_ =	sdelay $0x3  }
0x94: {  	_ =	strace s2  }
0x95: {  	s2 =	sld [smem:$0x3FFD];
	_ =	sdelay $0x3  }
0x96: {  	_ =	strace s2  }
0x97: {  	_ =	strace $0x8FFFFFFF  }
0x98: {  	s18 =	sld [smem:$0x3FDB];
	_ =	sdelay $0x1  }
0x99: {  	s19 =	simm.s32 $_scs_section_size  }
0x9a: {  	s4 =	simm.s32 $_size__tile_overlayer_lowered;
	s5 =	simm.s32 $_tile_overlayer_lowered  }
0x9b: {  	s22 =	simm.s32 $0x1BFF;
	s21 =	sshll.u32 s5, $0x1;
	s2 =	sadd.s32 s19, s18  }
0x9c: {  	s6 =	simm.s32 $0x0;
	s20 =	sshll.u32 s4, $0x1;
	s4 =	sadd.s32 s21, s2  }
0x9d: {  	[timem:s6], [sflag:s22] =	dma.local [hbm:s4], s20  }
0x9e: {  	_ =	swait.ge [sflag:s22], s20  }
0x9f: {  	s3 =	ssub.s32 $0x0, s20;
	[sflag:s22] =	ssyncset.done $0x0  }
0xa0: {  	[sflag:s22] =	ssyncadd.s32 s3;
	_ =	sdelay $0x1  }
0xa1: {  	s23 =	simm.s32 $0x1B8B  }
0xa2: {  	_ =	swait.ge [sflag:s23], $0x1  }
0xa3: {  	[sflag:s23] =	ssyncset.done $0x0  }
0xa4: {  	s25 =	simm.s32 $0x1B8E;
	s24 =	sld [smem:$0x3FFE];
	[sflag:s23] =	ssyncadd.s32 $0xFFFFFFFF  }
0xa5: {  	s26 =	simm.s32 $execute0_lowered;
	[smem:$0x3FD2] =	sst s25  }
0xa6: {  	s4 =	sshll.u32 s26, $0x1;
	_ =	strace $0x80000046;
	[dreg:$0x1] =	wrdreg $0xFFFFFFFF  }
0xa7: {  	s28 =	simm.s32 $_size_execute0_lowered;
	s2 =	sadd.s32 s2, s4;
	[dreg:$0x0] =	wrdreg $0x0  }
0xa8: {  	s4 =	sshll.u32 s28, $0x1;
	[dreg:$0x2] =	wrdreg s2  }
0xa9: {  	[dreg:$0x3] =	wrdreg s4  }
0xaa: {  	[dreg:$0x4] =	wrdreg $0xC0  }
0xab: {  	_ =	task [dreg:s6], $0x5FFFF  }
0xac: {  	[dreg:$0x1] =	wrdreg $0xFFFFFFFF  }
0xad: {  	[dreg:$0x0] =	wrdreg $0x60  }
0xae: {  	[dreg:$0x2] =	wrdreg s24  }
0xaf: {  	[dreg:$0x3] =	wrdreg $0x88000  }
0xb0: {  	[dreg:$0x4] =	wrdreg $0xA  }
0xb1: {  	_ =	task.clear_ibuf [dreg:s6], $0x5FFFF;
	_ =	strace $0x90000046  }
0xb2: {  	s29 =	simm.s32 $0xA;
	_ =	strace $0x80000048  }
0xb3: {  	_ =	swait.ge [sflag:s29], $0x1  }
0xb4: {  	[sflag:s29] =	ssyncadd.s32 $0xFFFFFFFF  }
0xb5: {  	_ =	strace $0x90000048  }
0xb6: {  	_ =	sfence  }
0xb7: {  	s30 =	sld [smem:$0x0];
	_ =	sdelay $0x2  }
0xb8: {  	s31 =	sshll.u32 s1, $0xD;
	s1 =	sshrl.u32 s1, $0x2  }
0xb9: {  	s3 =	sand.u32 $0x4000, s31;
	s1 =	sadd.s32 s1, s30  }
0xba: {  	s0 =	sor.u32 s3, s0;
	s1 =	sshll.u32 s1, $0x11  }
0xbb: {  	s0 =	sor.u32 s1, s0  }
0xbc: {  	s0 =	sadd.s32 $0x8F2B, s0  }
0xbd: {  	[sflag:s0] =	ssyncadd.remote.s32 $0x1  }
0xbe: {  	_ =	sfence.sel $0xFFFF  }
0xbf: {  	[dreg:$0x0] =	wrdreg $0xFFFFFFFF;
	(pc) =	sbr.abs _section_cstart, $3  }
0xc0: {  	[dreg:$0x1] =	wrdreg $0xFFFFFFFF  }
0xc1: {  	_ =	task.clear_ibuf [dreg:s6], $0x2FFFF;
	_ =	strace $0x9FFFFFFF  }
0xc2: {  	(tm) =	ssettm $0x7FFFFFFF  }
0xc3: {  	_ =	shalt  }
tec
execute0_lowered:
.L_overlay_start_1:
0x0: {  	(tag) =	ssettag $0x1  }
0x1: {  	s4 =	rddreg [dreg:$0x0]  }
0x2: {  	s2 =	rddreg [dreg:$0x1]  }
0x3: {  	s0 =	rddreg [dreg:$0x2];
	s3 =	simm.s32 $0x0;
	s1 =	stileid.u32  }
0x4: {  	s5 =	srdreg.scid;
	s16 =	simm.s32 $0x1;
	s17 =	simm.s32 $0x2  }
0x5: {  	s18 =	simm.s32 $0x4000;
	s19 =	simm.s32 $0x8400;
	s20 =	simm.s32 $0x80  }
0x6: {  	s21 =	simm.s32 $0x6;
	[smem:$0x7FF] =	sst s3;
	s6 =	smul.u32 $0x2780, s1  }
0x7: {  	s11 =	sand.u32 $0x1, s5;
	s12 =	sadd.s32 $0x4E4400, s4;
	s13 =	sadd.s32 $0x2400, s4  }
0x8: {  	s8 =	smul.u32 $0x4F000, s1;
	s26 =	sshll.u32 s1, $0x6;
	s30 =	sshll.u32 s1, $0xB  }
0x9: {  	s31 =	sshll.u32 s1, $0x7;
	_ =	strace $0x80000047;
	s5 =	smul.u32 $0x27800, s11  }
0xa: {  	s22 =	ssub.s32 $0x2, s11;
	s24 =	sshll.u32 s11, $0x4;
	s15 =	sshll.u32 s11, $0xF  }
0xb: {  	s11 =	sshll.u32 s11, $0xB;
	s7 =	sadd.s32 s6, s4;
	s23 =	sshrl.u32 s22, $0x1  }
0xc: {  	s25 =	sshrl.u32 s8, $0x2;
	s11 =	sadd.s32 s11, s13;
	s5 =	sadd.s32 s6, s5  }
0xd: {  	s10 =	ssub.s32 s22, s23;
	s14 =	sadd.s32 s25, s2;
	s6 =	sor.u32 $0x1C05, s26  }
0xe: {  	s11 =	sadd.s32 s31, s11;
	s22 =	simm.s32 $0x3;
	s23 =	simm.s32 $0x4  }
0xf: {  	s9 =	sadd.s32 s5, s4;
	s4 =	sor.u32 s1, s24;
	s5 =	sadd.s32 $0x50600, s7  }
0x10: {  	s10 =	smax.u32 s10, $0x1;
	s28 =	sshll.u32 s4, $0xB;
	s29 =	sshll.u32 s4, $0x7  }
0x11: {  	s9 =	sadd.s32 $0x77E00, s9;
	s24 =	sor.u32 $0x9C0, s4;
	s7 =	sadd.s32 s12, s28  }
0x12: {  	s8 =	sadd.s32 s13, s29;
	s12 =	sadd.s32 s15, s12;
	s13 =	sshrl.u32 s14, $0x3  }
0x13: {  	s14 =	simm.s32 $0x5;
	s15 =	simm.s32 $0x8000;
	s12 =	sadd.s32 s30, s12  }
0x14: {  	p0 =	sgt.u32 s24, $0x9C3;
	s24 =	simm.s32 $0x0;
	s12 =	sadd.s32 $0x20000, s12  }
.LBB2_1:
0x15: {  	[spmem:s13], [sflag:s6] =	dma.local [hbm:s5], $0x2780  }
0x16: {  	_ =	swait.ge [sflag:s14], $0x2780  }
0x17: {  	[sflag:s14] =	ssyncset.done $0x0  }
0x18: {  	[sflag:s14] =	ssyncadd.s32 $0xFFFFD880  }
0x19: {  	[bflag:$0x0] =	sbarrier.arrive $0xFFFF  }
0x1a: {  	[tilespmem:s3], [sflag:$0x1] =	stream.linear.gather [hbm4b:s7+s3], $0x4000, $0x38;
	[tilespmem:$0x1C400] =	vst v63  }
0x1b: {  	_ = 	snop  }
0x1c: {  	[tilespmem:s15], [sflag:$0x2] =	stream.linear.gather [hbm4b:s8+s3], $0x400, $0x38;
	[tilespmem:$0x1C400] =	vst v63  }
0x1d: {  	_ =	swait.ge [sflag:s16], $0x4000  }
0x1e: {  	[sflag:s16] =	ssyncset.done $0x0  }
0x1f: {  	[sflag:s16] =	ssyncadd.s32 $0xFFFFC000  }
0x20: {  	_ =	swait.ge [sflag:s17], $0x400  }
0x21: {  	[sflag:s17] =	ssyncset.done $0x0  }
0x22: {  	s25 =	sadd.s32 $0xFFFF0000, s12;
	s26 =	sadd.s32 $0x0, s11;
	[sflag:s17] =	ssyncadd.s32 $0xFFFFFC00  }
0x23: {  	[tilespmem:s18], [sflag:$0x3] =	stream.linear.gather [hbm4b:s25+s3], $0x4000, $0x38;
	[tilespmem:$0x1C400] =	vst v63  }
0x24: {  	s31 =	sadd.s32 $0x1000, s26  }
0x25: {  	[tilespmem:s19], [sflag:$0x4] =	stream.linear.gather [hbm4b:s31+s3], $0x400, $0x38;
	[tilespmem:$0x1C400] =	vst v63  }
0x26: {  	_ = 	snop  }
0x27: {  	[spmem:s2] =	stream.indirect.scatter.add.f32 [tilespmem:s3], [sflag:$0x6], $0x80, s15, s20, $0xb8;
	[tilespmem:$0x1C400] =	vst v63  }
0x28: {  	_ =	swait.ge [sflag:s21], $0x4000  }
0x29: {  	[sflag:s21] =	ssyncset.done $0x0  }
0x2a: {  	[sflag:s21] =	ssyncadd.s32 $0xFFFFC000  }
0x2b: {  	_ =	swait.ge [sflag:s22], $0x4000  }
0x2c: {  	[sflag:s22] =	ssyncset.done $0x0  }
0x2d: {  	[sflag:s22] =	ssyncadd.s32 $0xFFFFC000  }
0x2e: {  	_ =	swait.ge [sflag:s23], $0x400  }
0x2f: {  	p1 =	sgt.u32 s4, $0x983;
	[sflag:s23] =	ssyncset.done $0x0  }
0x30: {  	s26 =	sadd.s32 @!p1 $0x0, s11;
	s25 =	simm.s32 @!p1 $0x0;
	[sflag:s23] =	ssyncadd.s32 $0xFFFFFC00  }
0x31: {  	[tilespmem:s25], [sflag:$0x1] =	stream.linear.gather @!p1 [hbm4b:s12+s25], $0x4000, $0x38;
	[tilespmem:$0x1C400] =	vst v63  }
0x32: {  	s28 =	simm.s32 @!p1 $0x8000;
	s26 =	sadd.s32 @!p1 $0x2000, s26  }
0x33: {  	[tilespmem:s28], [sflag:$0x2] =	stream.linear.gather @!p1 [hbm4b:s26+s25], $0x400, $0x38;
	[tilespmem:$0x1C400] =	vst v63  }
0x34: {  	_ = 	snop  }
0x35: {  	[spmem:s2] =	stream.indirect.scatter.add.f32 [tilespmem:s18], [sflag:$0x5], $0x80, s19, s20, $0xb8;
	[tilespmem:$0x1C400] =	vst v63  }
0x36: {  	s25 =	simm.s32 $0x2000;
	_ =	swait.ge [sflag:s14], $0x4000  }
0x37: {  	s26 =	sadd.s32 $0x40, s4;
	s28 =	smov.u32 s12;
	[sflag:s14] =	ssyncset.done $0x0  }
.LBB2_2:
0x38: {  	[sflag:s14] =	ssyncadd.s32 $0xFFFFC000  }
0x39: {  	s28 =	sadd.s32 $0x20000, s28;
	s29 =	smov.u32 s25;
	s25 =	sadd.s32 $0x2000, s25  }
0x3a: {  	p1 =	sne.s32 s25, $0x4E000  }
0x3b: {  	_ =	swait.ge [sflag:s16], $0x4000  }
0x3c: {  	[sflag:s16] =	ssyncset.done $0x0  }
0x3d: {  	[sflag:s16] =	ssyncadd.s32 $0xFFFFC000  }
0x3e: {  	_ =	swait.ge [sflag:s17], $0x400  }
0x3f: {  	[sflag:s17] =	ssyncset.done $0x0  }
0x40: {  	s30 =	sadd.s32 $0xFFFF0000, s28;
	s31 =	sadd.s32 s29, s11;
	[sflag:s17] =	ssyncadd.s32 $0xFFFFFC00  }
0x41: {  	[tilespmem:s18], [sflag:$0x3] =	stream.linear.gather [hbm4b:s30+s3], $0x4000, $0x38;
	[tilespmem:$0x1C400] =	vst v63  }
0x42: {  	s30 =	sadd.s32 $0x1000, s31  }
0x43: {  	[tilespmem:s19], [sflag:$0x4] =	stream.linear.gather [hbm4b:s30+s3], $0x400, $0x38;
	[tilespmem:$0x1C400] =	vst v63  }
0x44: {  	_ = 	snop  }
0x45: {  	[spmem:s2] =	stream.indirect.scatter.add.f32 [tilespmem:s3], [sflag:$0x6], $0x80, s15, s20, $0xb8;
	[tilespmem:$0x1C400] =	vst v63  }
0x46: {  	_ =	swait.ge [sflag:s21], $0x4000  }
0x47: {  	[sflag:s21] =	ssyncset.done $0x0  }
0x48: {  	[sflag:s21] =	ssyncadd.s32 $0xFFFFC000  }
0x49: {  	_ =	swait.ge [sflag:s22], $0x4000  }
0x4a: {  	[sflag:s22] =	ssyncset.done $0x0  }
0x4b: {  	[sflag:s22] =	ssyncadd.s32 $0xFFFFC000  }
0x4c: {  	_ =	swait.ge [sflag:s23], $0x400  }
0x4d: {  	p2 =	sgt.u32 s26, $0x983;
	[sflag:s23] =	ssyncset.done $0x0  }
0x4e: {  	s29 =	sadd.s32 @!p2 s29, s11;
	s30 =	simm.s32 @!p2 $0x0;
	[sflag:s23] =	ssyncadd.s32 $0xFFFFFC00  }
0x4f: {  	[tilespmem:s30], [sflag:$0x1] =	stream.linear.gather @!p2 [hbm4b:s28+s30], $0x4000, $0x38;
	[tilespmem:$0x1C400] =	vst v63  }
0x50: {  	s29 =	sadd.s32 @!p2 $0x2000, s29;
	s31 =	simm.s32 @!p2 $0x8000  }
0x51: {  	[tilespmem:s31], [sflag:$0x2] =	stream.linear.gather @!p2 [hbm4b:s29+s30], $0x400, $0x38;
	[tilespmem:$0x1C400] =	vst v63  }
.Ltmp0:
0x52: {  	_ = 	snop;
	(pc) =	sbr.rel @p1 .LBB2_2-.Ltmp0, $4  }
0x53: {  	_ = 	snop  }
0x54: {  	[spmem:s2] =	stream.indirect.scatter.add.f32 [tilespmem:s18], [sflag:$0x5], $0x80, s19, s20, $0xb8;
	[tilespmem:$0x1C400] =	vst v63  }
0x55: {  	_ =	swait.ge [sflag:s14], $0x4000  }
0x56: {  	s26 =	sadd.s32 $0x40, s26;
	[sflag:s14] =	ssyncset.done $0x0  }
0x57: {  	[sflag:s14] =	ssyncadd.s32 $0xFFFFC000;
	s25 =	simm.s32 @!p0 $0x1  }
0x58: {  	_ =	swait.ge @!p0 [sflag:s25], $0x4000  }
0x59: {  	[sflag:s25] =	ssyncset.done @!p0 $0x0  }
0x5a: {  	[sflag:s25] =	ssyncadd.s32 @!p0 $0xFFFFC000;
	s25 =	simm.s32 @!p0 $0x2  }
0x5b: {  	_ =	swait.ge @!p0 [sflag:s25], $0x400  }
0x5c: {  	s26 =	simm.s32 @!p0 $0x8000;
	[sflag:s25] =	ssyncset.done @!p0 $0x0  }
0x5d: {  	s28 =	simm.s32 @!p0 $0x0;
	[sflag:s25] =	ssyncadd.s32 @!p0 $0xFFFFFC00;
	s25 =	simm.s32 @!p0 $0x80  }
0x5e: {  	[spmem:s2] =	stream.indirect.scatter.add.f32 @!p0 [tilespmem:s28], [sflag:$0x6], $0x80, s26, s25, $0xb8;
	[tilespmem:$0x1C400] =	vst v63  }
0x5f: {  	s25 =	simm.s32 @!p0 $0x6  }
0x60: {  	_ =	swait.ge @!p0 [sflag:s25], $0x4000  }
0x61: {  	s24 =	sadd.s32 $0x1, s24;
	[sflag:s25] =	ssyncset.done @!p0 $0x0  }
0x62: {  	p1 =	sne.s32 s24, s10;
	[sflag:s25] =	ssyncadd.s32 @!p0 $0xFFFFC000  }
.Ltmp1:
0x63: {  	[bflag:$0x0] =	sbarrier.arrive $0xFFFF;
	(pc) =	sbr.rel @p1 .LBB2_1-.Ltmp1, $4  }
0x64: {  	[hbm:s9], [sflag:s6] =	dma.local [spmem:s13], $0x2780  }
0x65: {  	_ =	swait.ge [sflag:s14], $0x2780  }
0x66: {  	[sflag:s14] =	ssyncset.done $0x0  }
0x67: {  	[sflag:s14] =	ssyncadd.s32 $0xFFFFD880  }
0x68: {  	_ =	sfence.sel $0x180000  }
0x69: {  	[bflag:$0x0] =	sbarrier.arrive $0xFFFF  }
0x6a: {  	p0 =	sne.s32 s1, $0x0;
	_ =	strace $0x90000047  }
0x6b: {  	s0 =	sadd.s32 @!p0 $0x100000, s0;
	[bflag:$0x2] =	sbarrier.arrive $0xFFFF  }
0x6c: {  	[sflag:s0] =	ssyncadd.tile.s32 @!p0 $0x1;
	_ =	shalt  }
.Lfunc_end2:
_tile_overlayer_lowered:
.L_overlay_start_2:
0x6d: {  	(tag) =	ssettag $0x2  }
0x6e: {  	s0 =	rddreg [dreg:$0x0];
	s2 =	stileid.u32  }
0x6f: {  	s1 =	rddreg [dreg:$0x1];
	p0 =	sne.s32 s2, $0x0  }
0x70: {  	s3 =	rddreg [dreg:$0x2];
	[bflag:$0x3] =	sbarrier.arrive $0xFFFF;
	s2 =	simm.s32 @!p0 $0x1C05  }
0x71: {  	[timem:s3], [sflag:s2] =	dma.local @!p0 [hbm:s0], s1  }
0x72: {  	s0 =	simm.s32 @!p0 $0x5  }
0x73: {  	_ =	swait.ge @!p0 [sflag:s0], s1  }
0x74: {  	s1 =	ssub.s32 @!p0 $0x0, s1;
	[sflag:s0] =	ssyncset.done @!p0 $0x0  }
0x75: {  	[sflag:s0] =	ssyncadd.s32 @!p0 s1  }
0x76: {  	[bflag:$0x3] =	sbarrier.arrive $0xFFFF  }
0x77: {  	_ =	shalt  }

</sc_bundles>
